<compile_context>
chip_gen: v7x
topology: tpu7x:2x2x1
jax: 0.10.2.dev20260603
libtpu: 0.0.44.dev20260713+nightly
codegen_flags: <defaults>
</compile_context>

<pallas_src>
import jax
import jax.numpy as jnp
from jax import lax
from jax.experimental import pallas as pl
from jax.experimental.pallas import tpu as pltpu
from jax.experimental.pallas import tpu_sc as plsc

B, C, HW = 16, 64, 1024
K = 1024
BETA = 0.25
NC, NS, L = 2, 16, 16
CH = C // NC
NCHUNK = HW // L


def _tc_argmin_body(cb_ref, z_ref, idx_ref, loss_ref):
    b = pl.program_id(0)
    cb = cb_ref[...]
    z2 = z_ref[0]
    s = lax.dot_general(cb, z2, (((1,), (0,)), ((), ())),
                        preferred_element_type=jnp.float32)
    csq = jnp.sum(cb * cb, axis=1)
    zsq = jnp.sum(z2 * z2, axis=0)
    d = (zsq[None, :] + csq[:, None]) - 2.0 * s
    m = jnp.min(d, axis=0)
    idx_ref[0, 0] = jnp.argmin(d, axis=0).astype(jnp.int32)

    @pl.when(b == 0)
    def _init():
        loss_ref[0, 0] = 0.0

    loss_ref[0, 0] += jnp.sum(m) * ((1.0 + BETA) / (B * HW * C))


def _sc_gather_body(cbt_hbm, idx_hbm, zq_hbm, cb_v, idx_v, out_v):
    half = lax.axis_index("c")
    b = lax.axis_index("s")
    c0 = half * CH
    pltpu.sync_copy(cbt_hbm.at[pl.ds(c0 * K, CH * K)], cb_v)
    pltpu.sync_copy(idx_hbm.at[b], idx_v)

    @plsc.parallel_loop(0, NCHUNK, unroll=2)
    def chunk(j):
        j16 = j * L
        base = idx_v[pl.ds(j16, L)]
        vals = [plsc.load_gather(cb_v, [base + cl * K]) for cl in range(CH)]
        for cl in range(CH):
            out_v[cl, pl.ds(j16, L)] = vals[cl]

    pltpu.sync_copy(out_v, zq_hbm.at[b, pl.ds(c0, CH)])


def _sc_gather(codebook_weight, idx2):
    fn = pl.kernel(
        _sc_gather_body,
        out_type=jax.ShapeDtypeStruct((B, C, HW), jnp.float32),
        mesh=plsc.VectorSubcoreMesh(core_axis_name="c", subcore_axis_name="s"),
        compiler_params=pltpu.CompilerParams(needs_layout_passes=False),
        scratch_types=[
            pltpu.VMEM((CH * K,), jnp.float32),
            pltpu.VMEM((HW,), jnp.int32),
            pltpu.VMEM((CH, HW), jnp.float32),
        ],
    )
    return fn(codebook_weight.T.reshape(C * K), idx2)


def kernel(z_e, codebook_weight):
    idx3, loss = pl.pallas_call(
        _tc_argmin_body,
        grid=(B,),
        in_specs=[
            pl.BlockSpec((K, C), lambda b: (0, 0)),
            pl.BlockSpec((1, C, HW), lambda b: (b, 0, 0)),
        ],
        out_specs=[
            pl.BlockSpec((1, 1, HW), lambda b: (b, 0, 0)),
            pl.BlockSpec((1, 1), lambda b: (0, 0), memory_space=pltpu.SMEM),
        ],
        out_shape=[
            jax.ShapeDtypeStruct((B, 1, HW), jnp.int32),
            jax.ShapeDtypeStruct((1, 1), jnp.float32),
        ],
    )(codebook_weight, z_e.reshape(B, C, HW))
    idxc = idx3.reshape(B * HW, 1)
    idx2 = idx3.reshape(B, HW)
    zq = _sc_gather(codebook_weight, idx2)
    z_q = zq.reshape(B, C, 32, 32)
    return (z_q, idxc, loss[0, 0])

# --- scband reference (transcript-rebuilt; emitter-appended) ---
"""Pipeline reference for scband-vq-17394617549038 (READ-ONLY COPY).

The authoritative reference and input builder live on the scoring server;
editing this copy changes nothing except your own understanding.
"""

import jax, jax.numpy as jnp
import numpy as np

B, C, H, W = 16, 64, 32, 32
K = 1024
BETA = 0.25

def setup_inputs(seed: int = 0) -> dict:
    key = jax.random.key(seed)
    k1, k2 = jax.random.split(key)
    z_e = jax.random.normal(k1, (B, C, H, W), dtype=jnp.float32)
    codebook_weight = jax.random.normal(k2, (K, C), dtype=jnp.float32) * 0.02
    return {"z_e": z_e, "codebook_weight": codebook_weight}

def reference(z_e, codebook_weight):
    # z_e: [B, C, H, W] -> permute to [B, H, W, C]
    z_perm = jnp.transpose(z_e, (0, 2, 3, 1))
    z_flat = z_perm.reshape(-1, codebook_weight.shape[1])
    # squared L2 distances to every codebook entry
    d = (jnp.sum(z_flat ** 2, axis=1, keepdims=True)
         + jnp.sum(codebook_weight ** 2, axis=1)
         - 2.0 * jnp.matmul(z_flat, codebook_weight.T))
    codebook_idx = jnp.argmin(d, axis=1)[:, None]
    # one-hot encodings then matmul (faithful to torch scatter_ + matmul)
    encodings = jax.nn.one_hot(codebook_idx[:, 0], K, dtype=jnp.float32)
    z_quant = jnp.matmul(encodings, codebook_weight).reshape(z_perm.shape)
    # straight-through estimator
    z_q_perm = z_perm + jax.lax.stop_gradient(z_quant - z_perm)
    z_q = jnp.transpose(z_q_perm, (0, 3, 1, 2))
    loss_codebook = jnp.mean((jax.lax.stop_gradient(z_quant) - z_perm) ** 2)
    loss_commit = jnp.mean((z_quant - jax.lax.stop_gradient(z_perm)) ** 2)
    loss_vq = loss_codebook + loss_commit * BETA
    return (z_q, codebook_idx, loss_vq)

if __name__ == "__main__":
    import jax
    _d = setup_inputs()
    print(jax.jit(kernel)(*tuple(_d.values())))

</pallas_src>

<mosaic_0001>
#map = affine_map<(d0, d1) -> (0)>
#map1 = affine_map<(d0, d1) -> (0, 0)>
#map2 = affine_map<(d0, d1) -> (0, 0, 0)>
module attributes {stable_mosaic.version = 14 : i64} {
  func.func @_sc_gather_body(%arg0: i32, %arg1: i32, %arg2: memref<65536xf32, #tpu.memory_space<hbm>>, %arg3: memref<16x1024xi32, #tpu.memory_space<hbm>>, %arg4: memref<16x64x1024xf32, #tpu.memory_space<hbm>>, %arg5: memref<32768xf32, #tpu.memory_space<vmem>>, %arg6: memref<1024xi32, #tpu.memory_space<vmem>>, %arg7: memref<32x1024xf32, #tpu.memory_space<vmem>>) attributes {dimension_semantics = [#tpu.dimension_semantics<core_parallel>, #tpu.dimension_semantics<subcore_parallel>], iteration_bounds = array<i64: 2, 16>, scalar_prefetch = 0 : i64, scratch_operands = 3 : i64, tpu.core_type = #tpu.core_type<sc_vector_subcore>, window_params = [{transform_indices = #map}, {transform_indices = #map1}, {transform_indices = #map2}]} {
    %mul3A = arith.constant 32 : i32
    %mul3A_0 = arith.muli %arg0, %mul3A : i32
    %mul3A_1 = arith.constant 1024 : i32
    %mul3A_2 = arith.muli %mul3A_0, %mul3A_1 : i32
    "tpu.region"() ({
      %run_scoped3A = tpu.sem_alloc : memref<!tpu.dma_semaphore, #tpu.memory_space<semaphore_mem>>
      %dma_start3A = tpu.memref_slice %arg2[%mul3A_2] : memref<65536xf32, #tpu.memory_space<hbm>> -> memref<32768xf32, #tpu.memory_space<hbm>>
      %dma_start3A_5 = tpu.memref_slice %arg2[%mul3A_2] : memref<65536xf32, #tpu.memory_space<hbm>> -> memref<32768xf32, #tpu.memory_space<hbm>>
      tpu.enqueue_dma source(%dma_start3A_5 : memref<32768xf32, #tpu.memory_space<hbm>>) target(%arg5 : memref<32768xf32, #tpu.memory_space<vmem>>) target_semaphore(%run_scoped3A : memref<!tpu.dma_semaphore, #tpu.memory_space<semaphore_mem>>)
      %dma_wait3A = tpu.memref_slice %arg2[%mul3A_2] : memref<65536xf32, #tpu.memory_space<hbm>> -> memref<32768xf32, #tpu.memory_space<hbm>>
      %dma_wait3A_6 = tpu.memref_slice %arg2[%mul3A_2] : memref<65536xf32, #tpu.memory_space<hbm>> -> memref<32768xf32, #tpu.memory_space<hbm>>
      tpu.wait_dma2 semaphore(%run_scoped3A : memref<!tpu.dma_semaphore, #tpu.memory_space<semaphore_mem>>) src(%dma_wait3A_6 : memref<32768xf32, #tpu.memory_space<hbm>>) dst(%arg5 : memref<32768xf32, #tpu.memory_space<vmem>>)
      tpu.yield
    }) : () -> ()
    "tpu.region"() ({
      %run_scoped3A = tpu.sem_alloc : memref<!tpu.dma_semaphore, #tpu.memory_space<semaphore_mem>>
      %dma_start3A = arith.constant 0 : i32
      %dma_start3A_5 = tpu.memref_slice %arg3[%arg1, %dma_start3A] : memref<16x1024xi32, #tpu.memory_space<hbm>> -> memref<1x1024xi32, #tpu.memory_space<hbm>>
      %dma_start3A_6 = tpu.memref_squeeze %dma_start3A_5 : memref<1x1024xi32, #tpu.memory_space<hbm>> -> memref<1024xi32, #tpu.memory_space<hbm>>
      %dma_start3A_7 = arith.constant 0 : i32
      %dma_start3A_8 = tpu.memref_slice %arg3[%arg1, %dma_start3A_7] : memref<16x1024xi32, #tpu.memory_space<hbm>> -> memref<1x1024xi32, #tpu.memory_space<hbm>>
      %dma_start3A_9 = tpu.memref_squeeze %dma_start3A_8 : memref<1x1024xi32, #tpu.memory_space<hbm>> -> memref<1024xi32, #tpu.memory_space<hbm>>
      tpu.enqueue_dma source(%dma_start3A_9 : memref<1024xi32, #tpu.memory_space<hbm>>) target(%arg6 : memref<1024xi32, #tpu.memory_space<vmem>>) target_semaphore(%run_scoped3A : memref<!tpu.dma_semaphore, #tpu.memory_space<semaphore_mem>>)
      %dma_wait3A = arith.constant 0 : i32
      %dma_wait3A_10 = tpu.memref_slice %arg3[%arg1, %dma_wait3A] : memref<16x1024xi32, #tpu.memory_space<hbm>> -> memref<1x1024xi32, #tpu.memory_space<hbm>>
      %dma_wait3A_11 = tpu.memref_squeeze %dma_wait3A_10 : memref<1x1024xi32, #tpu.memory_space<hbm>> -> memref<1024xi32, #tpu.memory_space<hbm>>
      %dma_wait3A_12 = arith.constant 0 : i32
      %dma_wait3A_13 = tpu.memref_slice %arg3[%arg1, %dma_wait3A_12] : memref<16x1024xi32, #tpu.memory_space<hbm>> -> memref<1x1024xi32, #tpu.memory_space<hbm>>
      %dma_wait3A_14 = tpu.memref_squeeze %dma_wait3A_13 : memref<1x1024xi32, #tpu.memory_space<hbm>> -> memref<1024xi32, #tpu.memory_space<hbm>>
      tpu.wait_dma2 semaphore(%run_scoped3A : memref<!tpu.dma_semaphore, #tpu.memory_space<semaphore_mem>>) src(%dma_wait3A_14 : memref<1024xi32, #tpu.memory_space<hbm>>) dst(%arg6 : memref<1024xi32, #tpu.memory_space<vmem>>)
      tpu.yield
    }) : () -> ()
    %parallel_loop3A = arith.constant 0 : i32
    %parallel_loop3A_3 = arith.constant 64 : i32
    %parallel_loop3A_4 = arith.constant 1 : i32
    scf.for %parallel_loop3A_5 = %parallel_loop3A to %parallel_loop3A_3 step %parallel_loop3A_4  : i32 {
      %parallel_loop3A_6 = arith.constant 16 : i32
      %parallel_loop3A_7 = arith.muli %parallel_loop3A_5, %parallel_loop3A_6 : i32
      %parallel_loop3A_8 = arith.index_cast %parallel_loop3A_7 : i32 to index
      %parallel_loop3A_9 = tpu.vector_load %arg6[%parallel_loop3A_8] {strides = array<i32>} : memref<1024xi32, #tpu.memory_space<vmem>>, vector<16xi32>,
      %parallel_loop3A_10 = arith.constant 0 : i32
      %parallel_loop3A_11 = vector.broadcast %parallel_loop3A_10 : i32 to vector<16xi32>
      %parallel_loop3A_12 = arith.addi %parallel_loop3A_9, %parallel_loop3A_11 : vector<16xi32>
      %parallel_loop3A_13 = tpu.vector_load_idx %arg5[%parallel_loop3A_12] : memref<32768xf32, #tpu.memory_space<vmem>>[vector<16xi32>], vector<16xf32>,
      %parallel_loop3A_14 = arith.constant 1024 : i32
      %parallel_loop3A_15 = vector.broadcast %parallel_loop3A_14 : i32 to vector<16xi32>
      %parallel_loop3A_16 = arith.addi %parallel_loop3A_9, %parallel_loop3A_15 : vector<16xi32>
      %parallel_loop3A_17 = tpu.vector_load_idx %arg5[%parallel_loop3A_16] : memref<32768xf32, #tpu.memory_space<vmem>>[vector<16xi32>], vector<16xf32>,
      %parallel_loop3A_18 = arith.constant 2048 : i32
      %parallel_loop3A_19 = vector.broadcast %parallel_loop3A_18 : i32 to vector<16xi32>
      %parallel_loop3A_20 = arith.addi %parallel_loop3A_9, %parallel_loop3A_19 : vector<16xi32>
      %parallel_loop3A_21 = tpu.vector_load_idx %arg5[%parallel_loop3A_20] : memref<32768xf32, #tpu.memory_space<vmem>>[vector<16xi32>], vector<16xf32>,
      %parallel_loop3A_22 = arith.constant 3072 : i32
      %parallel_loop3A_23 = vector.broadcast %parallel_loop3A_22 : i32 to vector<16xi32>
      %parallel_loop3A_24 = arith.addi %parallel_loop3A_9, %parallel_loop3A_23 : vector<16xi32>
      %parallel_loop3A_25 = tpu.vector_load_idx %arg5[%parallel_loop3A_24] : memref<32768xf32, #tpu.memory_space<vmem>>[vector<16xi32>], vector<16xf32>,
      %parallel_loop3A_26 = arith.constant 4096 : i32
      %parallel_loop3A_27 = vector.broadcast %parallel_loop3A_26 : i32 to vector<16xi32>
      %parallel_loop3A_28 = arith.addi %parallel_loop3A_9, %parallel_loop3A_27 : vector<16xi32>
      %parallel_loop3A_29 = tpu.vector_load_idx %arg5[%parallel_loop3A_28] : memref<32768xf32, #tpu.memory_space<vmem>>[vector<16xi32>], vector<16xf32>,
      %parallel_loop3A_30 = arith.constant 5120 : i32
      %parallel_loop3A_31 = vector.broadcast %parallel_loop3A_30 : i32 to vector<16xi32>
      %parallel_loop3A_32 = arith.addi %parallel_loop3A_9, %parallel_loop3A_31 : vector<16xi32>
      %parallel_loop3A_33 = tpu.vector_load_idx %arg5[%parallel_loop3A_32] : memref<32768xf32, #tpu.memory_space<vmem>>[vector<16xi32>], vector<16xf32>,
      %parallel_loop3A_34 = arith.constant 6144 : i32
      %parallel_loop3A_35 = vector.broadcast %parallel_loop3A_34 : i32 to vector<16xi32>
      %parallel_loop3A_36 = arith.addi %parallel_loop3A_9, %parallel_loop3A_35 : vector<16xi32>
      %parallel_loop3A_37 = tpu.vector_load_idx %arg5[%parallel_loop3A_36] : memref<32768xf32, #tpu.memory_space<vmem>>[vector<16xi32>], vector<16xf32>,
      %parallel_loop3A_38 = arith.constant 7168 : i32
      %parallel_loop3A_39 = vector.broadcast %parallel_loop3A_38 : i32 to vector<16xi32>
      %parallel_loop3A_40 = arith.addi %parallel_loop3A_9, %parallel_loop3A_39 : vector<16xi32>
      %parallel_loop3A_41 = tpu.vector_load_idx %arg5[%parallel_loop3A_40] : memref<32768xf32, #tpu.memory_space<vmem>>[vector<16xi32>], vector<16xf32>,
      %parallel_loop3A_42 = arith.constant 8192 : i32
      %parallel_loop3A_43 = vector.broadcast %parallel_loop3A_42 : i32 to vector<16xi32>
      %parallel_loop3A_44 = arith.addi %parallel_loop3A_9, %parallel_loop3A_43 : vector<16xi32>
      %parallel_loop3A_45 = tpu.vector_load_idx %arg5[%parallel_loop3A_44] : memref<32768xf32, #tpu.memory_space<vmem>>[vector<16xi32>], vector<16xf32>,
      %parallel_loop3A_46 = arith.constant 9216 : i32
      %parallel_loop3A_47 = vector.broadcast %parallel_loop3A_46 : i32 to vector<16xi32>
      %parallel_loop3A_48 = arith.addi %parallel_loop3A_9, %parallel_loop3A_47 : vector<16xi32>
      %parallel_loop3A_49 = tpu.vector_load_idx %arg5[%parallel_loop3A_48] : memref<32768xf32, #tpu.memory_space<vmem>>[vector<16xi32>], vector<16xf32>,
      %parallel_loop3A_50 = arith.constant 10240 : i32
      %parallel_loop3A_51 = vector.broadcast %parallel_loop3A_50 : i32 to vector<16xi32>
      %parallel_loop3A_52 = arith.addi %parallel_loop3A_9, %parallel_loop3A_51 : vector<16xi32>
      %parallel_loop3A_53 = tpu.vector_load_idx %arg5[%parallel_loop3A_52] : memref<32768xf32, #tpu.memory_space<vmem>>[vector<16xi32>], vector<16xf32>,
      %parallel_loop3A_54 = arith.constant 11264 : i32
      %parallel_loop3A_55 = vector.broadcast %parallel_loop3A_54 : i32 to vector<16xi32>
      %parallel_loop3A_56 = arith.addi %parallel_loop3A_9, %parallel_loop3A_55 : vector<16xi32>
      %parallel_loop3A_57 = tpu.vector_load_idx %arg5[%parallel_loop3A_56] : memref<32768xf32, #tpu.memory_space<vmem>>[vector<16xi32>], vector<16xf32>,
      %parallel_loop3A_58 = arith.constant 12288 : i32
      %parallel_loop3A_59 = vector.broadcast %parallel_loop3A_58 : i32 to vector<16xi32>
      %parallel_loop3A_60 = arith.addi %parallel_loop3A_9, %parallel_loop3A_59 : vector<16xi32>
      %parallel_loop3A_61 = tpu.vector_load_idx %arg5[%parallel_loop3A_60] : memref<32768xf32, #tpu.memory_space<vmem>>[vector<16xi32>], vector<16xf32>,
      %parallel_loop3A_62 = arith.constant 13312 : i32
      %parallel_loop3A_63 = vector.broadcast %parallel_loop3A_62 : i32 to vector<16xi32>
      %parallel_loop3A_64 = arith.addi %parallel_loop3A_9, %parallel_loop3A_63 : vector<16xi32>
      %parallel_loop3A_65 = tpu.vector_load_idx %arg5[%parallel_loop3A_64] : memref<32768xf32, #tpu.memory_space<vmem>>[vector<16xi32>], vector<16xf32>,
      %parallel_loop3A_66 = arith.constant 14336 : i32
      %parallel_loop3A_67 = vector.broadcast %parallel_loop3A_66 : i32 to vector<16xi32>
      %parallel_loop3A_68 = arith.addi %parallel_loop3A_9, %parallel_loop3A_67 : vector<16xi32>
      %parallel_loop3A_69 = tpu.vector_load_idx %arg5[%parallel_loop3A_68] : memref<32768xf32, #tpu.memory_space<vmem>>[vector<16xi32>], vector<16xf32>,
      %parallel_loop3A_70 = arith.constant 15360 : i32
      %parallel_loop3A_71 = vector.broadcast %parallel_loop3A_70 : i32 to vector<16xi32>
      %parallel_loop3A_72 = arith.addi %parallel_loop3A_9, %parallel_loop3A_71 : vector<16xi32>
      %parallel_loop3A_73 = tpu.vector_load_idx %arg5[%parallel_loop3A_72] : memref<32768xf32, #tpu.memory_space<vmem>>[vector<16xi32>], vector<16xf32>,
      %parallel_loop3A_74 = arith.constant 16384 : i32
      %parallel_loop3A_75 = vector.broadcast %parallel_loop3A_74 : i32 to vector<16xi32>
      %parallel_loop3A_76 = arith.addi %parallel_loop3A_9, %parallel_loop3A_75 : vector<16xi32>
      %parallel_loop3A_77 = tpu.vector_load_idx %arg5[%parallel_loop3A_76] : memref<32768xf32, #tpu.memory_space<vmem>>[vector<16xi32>], vector<16xf32>,
      %parallel_loop3A_78 = arith.constant 17408 : i32
      %parallel_loop3A_79 = vector.broadcast %parallel_loop3A_78 : i32 to vector<16xi32>
      %parallel_loop3A_80 = arith.addi %parallel_loop3A_9, %parallel_loop3A_79 : vector<16xi32>
      %parallel_loop3A_81 = tpu.vector_load_idx %arg5[%parallel_loop3A_80] : memref<32768xf32, #tpu.memory_space<vmem>>[vector<16xi32>], vector<16xf32>,
      %parallel_loop3A_82 = arith.constant 18432 : i32
      %parallel_loop3A_83 = vector.broadcast %parallel_loop3A_82 : i32 to vector<16xi32>
      %parallel_loop3A_84 = arith.addi %parallel_loop3A_9, %parallel_loop3A_83 : vector<16xi32>
      %parallel_loop3A_85 = tpu.vector_load_idx %arg5[%parallel_loop3A_84] : memref<32768xf32, #tpu.memory_space<vmem>>[vector<16xi32>], vector<16xf32>,
      %parallel_loop3A_86 = arith.constant 19456 : i32
      %parallel_loop3A_87 = vector.broadcast %parallel_loop3A_86 : i32 to vector<16xi32>
      %parallel_loop3A_88 = arith.addi %parallel_loop3A_9, %parallel_loop3A_87 : vector<16xi32>
      %parallel_loop3A_89 = tpu.vector_load_idx %arg5[%parallel_loop3A_88] : memref<32768xf32, #tpu.memory_space<vmem>>[vector<16xi32>], vector<16xf32>,
      %parallel_loop3A_90 = arith.constant 20480 : i32
      %parallel_loop3A_91 = vector.broadcast %parallel_loop3A_90 : i32 to vector<16xi32>
      %parallel_loop3A_92 = arith.addi %parallel_loop3A_9, %parallel_loop3A_91 : vector<16xi32>
      %parallel_loop3A_93 = tpu.vector_load_idx %arg5[%parallel_loop3A_92] : memref<32768xf32, #tpu.memory_space<vmem>>[vector<16xi32>], vector<16xf32>,
      %parallel_loop3A_94 = arith.constant 21504 : i32
      %parallel_loop3A_95 = vector.broadcast %parallel_loop3A_94 : i32 to vector<16xi32>
      %parallel_loop3A_96 = arith.addi %parallel_loop3A_9, %parallel_loop3A_95 : vector<16xi32>
      %parallel_loop3A_97 = tpu.vector_load_idx %arg5[%parallel_loop3A_96] : memref<32768xf32, #tpu.memory_space<vmem>>[vector<16xi32>], vector<16xf32>,
      %parallel_loop3A_98 = arith.constant 22528 : i32
      %parallel_loop3A_99 = vector.broadcast %parallel_loop3A_98 : i32 to vector<16xi32>
      %parallel_loop3A_100 = arith.addi %parallel_loop3A_9, %parallel_loop3A_99 : vector<16xi32>
      %parallel_loop3A_101 = tpu.vector_load_idx %arg5[%parallel_loop3A_100] : memref<32768xf32, #tpu.memory_space<vmem>>[vector<16xi32>], vector<16xf32>,
      %parallel_loop3A_102 = arith.constant 23552 : i32
      %parallel_loop3A_103 = vector.broadcast %parallel_loop3A_102 : i32 to vector<16xi32>
      %parallel_loop3A_104 = arith.addi %parallel_loop3A_9, %parallel_loop3A_103 : vector<16xi32>
      %parallel_loop3A_105 = tpu.vector_load_idx %arg5[%parallel_loop3A_104] : memref<32768xf32, #tpu.memory_space<vmem>>[vector<16xi32>], vector<16xf32>,
      %parallel_loop3A_106 = arith.constant 24576 : i32
      %parallel_loop3A_107 = vector.broadcast %parallel_loop3A_106 : i32 to vector<16xi32>
      %parallel_loop3A_108 = arith.addi %parallel_loop3A_9, %parallel_loop3A_107 : vector<16xi32>
      %parallel_loop3A_109 = tpu.vector_load_idx %arg5[%parallel_loop3A_108] : memref<32768xf32, #tpu.memory_space<vmem>>[vector<16xi32>], vector<16xf32>,
      %parallel_loop3A_110 = arith.constant 25600 : i32
      %parallel_loop3A_111 = vector.broadcast %parallel_loop3A_110 : i32 to vector<16xi32>
      %parallel_loop3A_112 = arith.addi %parallel_loop3A_9, %parallel_loop3A_111 : vector<16xi32>
      %parallel_loop3A_113 = tpu.vector_load_idx %arg5[%parallel_loop3A_112] : memref<32768xf32, #tpu.memory_space<vmem>>[vector<16xi32>], vector<16xf32>,
      %parallel_loop3A_114 = arith.constant 26624 : i32
      %parallel_loop3A_115 = vector.broadcast %parallel_loop3A_114 : i32 to vector<16xi32>
      %parallel_loop3A_116 = arith.addi %parallel_loop3A_9, %parallel_loop3A_115 : vector<16xi32>
      %parallel_loop3A_117 = tpu.vector_load_idx %arg5[%parallel_loop3A_116] : memref<32768xf32, #tpu.memory_space<vmem>>[vector<16xi32>], vector<16xf32>,
      %parallel_loop3A_118 = arith.constant 27648 : i32
      %parallel_loop3A_119 = vector.broadcast %parallel_loop3A_118 : i32 to vector<16xi32>
      %parallel_loop3A_120 = arith.addi %parallel_loop3A_9, %parallel_loop3A_119 : vector<16xi32>
      %parallel_loop3A_121 = tpu.vector_load_idx %arg5[%parallel_loop3A_120] : memref<32768xf32, #tpu.memory_space<vmem>>[vector<16xi32>], vector<16xf32>,
      %parallel_loop3A_122 = arith.constant 28672 : i32
      %parallel_loop3A_123 = vector.broadcast %parallel_loop3A_122 : i32 to vector<16xi32>
      %parallel_loop3A_124 = arith.addi %parallel_loop3A_9, %parallel_loop3A_123 : vector<16xi32>
      %parallel_loop3A_125 = tpu.vector_load_idx %arg5[%parallel_loop3A_124] : memref<32768xf32, #tpu.memory_space<vmem>>[vector<16xi32>], vector<16xf32>,
      %parallel_loop3A_126 = arith.constant 29696 : i32
      %parallel_loop3A_127 = vector.broadcast %parallel_loop3A_126 : i32 to vector<16xi32>
      %parallel_loop3A_128 = arith.addi %parallel_loop3A_9, %parallel_loop3A_127 : vector<16xi32>
      %parallel_loop3A_129 = tpu.vector_load_idx %arg5[%parallel_loop3A_128] : memref<32768xf32, #tpu.memory_space<vmem>>[vector<16xi32>], vector<16xf32>,
      %parallel_loop3A_130 = arith.constant 30720 : i32
      %parallel_loop3A_131 = vector.broadcast %parallel_loop3A_130 : i32 to vector<16xi32>
      %parallel_loop3A_132 = arith.addi %parallel_loop3A_9, %parallel_loop3A_131 : vector<16xi32>
      %parallel_loop3A_133 = tpu.vector_load_idx %arg5[%parallel_loop3A_132] : memref<32768xf32, #tpu.memory_space<vmem>>[vector<16xi32>], vector<16xf32>,
      %parallel_loop3A_134 = arith.constant 31744 : i32
      %parallel_loop3A_135 = vector.broadcast %parallel_loop3A_134 : i32 to vector<16xi32>
      %parallel_loop3A_136 = arith.addi %parallel_loop3A_9, %parallel_loop3A_135 : vector<16xi32>
      %parallel_loop3A_137 = tpu.vector_load_idx %arg5[%parallel_loop3A_136] : memref<32768xf32, #tpu.memory_space<vmem>>[vector<16xi32>], vector<16xf32>,
      %parallel_loop3A_138 = arith.constant 0 : i32
      %parallel_loop3A_139 = arith.index_cast %parallel_loop3A_138 : i32 to index
      %parallel_loop3A_140 = arith.index_cast %parallel_loop3A_7 : i32 to index
      %parallel_loop3A_141 = tpu.vector_load %arg7[%parallel_loop3A_139, %parallel_loop3A_140] {strides = array<i32>} : memref<32x1024xf32, #tpu.memory_space<vmem>>, vector<16xf32>,
      tpu.vector_store %arg7[%parallel_loop3A_139, %parallel_loop3A_140], %parallel_loop3A_13 {strides = array<i32>} : memref<32x1024xf32, #tpu.memory_space<vmem>>, vector<16xf32>,
      %parallel_loop3A_142 = arith.constant 1 : i32
      %parallel_loop3A_143 = arith.index_cast %parallel_loop3A_142 : i32 to index
      %parallel_loop3A_144 = arith.index_cast %parallel_loop3A_7 : i32 to index
      %parallel_loop3A_145 = tpu.vector_load %arg7[%parallel_loop3A_143, %parallel_loop3A_144] {strides = array<i32>} : memref<32x1024xf32, #tpu.memory_space<vmem>>, vector<16xf32>,
      tpu.vector_store %arg7[%parallel_loop3A_143, %parallel_loop3A_144], %parallel_loop3A_17 {strides = array<i32>} : memref<32x1024xf32, #tpu.memory_space<vmem>>, vector<16xf32>,
      %parallel_loop3A_146 = arith.constant 2 : i32
      %parallel_loop3A_147 = arith.index_cast %parallel_loop3A_146 : i32 to index
      %parallel_loop3A_148 = arith.index_cast %parallel_loop3A_7 : i32 to index
      %parallel_loop3A_149 = tpu.vector_load %arg7[%parallel_loop3A_147, %parallel_loop3A_148] {strides = array<i32>} : memref<32x1024xf32, #tpu.memory_space<vmem>>, vector<16xf32>,
      tpu.vector_store %arg7[%parallel_loop3A_147, %parallel_loop3A_148], %parallel_loop3A_21 {strides = array<i32>} : memref<32x1024xf32, #tpu.memory_space<vmem>>, vector<16xf32>,
      %parallel_loop3A_150 = arith.constant 3 : i32
      %parallel_loop3A_151 = arith.index_cast %parallel_loop3A_150 : i32 to index
      %parallel_loop3A_152 = arith.index_cast %parallel_loop3A_7 : i32 to index
      %parallel_loop3A_153 = tpu.vector_load %arg7[%parallel_loop3A_151, %parallel_loop3A_152] {strides = array<i32>} : memref<32x1024xf32, #tpu.memory_space<vmem>>, vector<16xf32>,
      tpu.vector_store %arg7[%parallel_loop3A_151, %parallel_loop3A_152], %parallel_loop3A_25 {strides = array<i32>} : memref<32x1024xf32, #tpu.memory_space<vmem>>, vector<16xf32>,
      %parallel_loop3A_154 = arith.constant 4 : i32
      %parallel_loop3A_155 = arith.index_cast %parallel_loop3A_154 : i32 to index
      %parallel_loop3A_156 = arith.index_cast %parallel_loop3A_7 : i32 to index
      %parallel_loop3A_157 = tpu.vector_load %arg7[%parallel_loop3A_155, %parallel_loop3A_156] {strides = array<i32>} : memref<32x1024xf32, #tpu.memory_space<vmem>>, vector<16xf32>,
      tpu.vector_store %arg7[%parallel_loop3A_155, %parallel_loop3A_156], %parallel_loop3A_29 {strides = array<i32>} : memref<32x1024xf32, #tpu.memory_space<vmem>>, vector<16xf32>,
      %parallel_loop3A_158 = arith.constant 5 : i32
      %parallel_loop3A_159 = arith.index_cast %parallel_loop3A_158 : i32 to index
      %parallel_loop3A_160 = arith.index_cast %parallel_loop3A_7 : i32 to index
      %parallel_loop3A_161 = tpu.vector_load %arg7[%parallel_loop3A_159, %parallel_loop3A_160] {strides = array<i32>} : memref<32x1024xf32, #tpu.memory_space<vmem>>, vector<16xf32>,
      tpu.vector_store %arg7[%parallel_loop3A_159, %parallel_loop3A_160], %parallel_loop3A_33 {strides = array<i32>} : memref<32x1024xf32, #tpu.memory_space<vmem>>, vector<16xf32>,
      %parallel_loop3A_162 = arith.constant 6 : i32
      %parallel_loop3A_163 = arith.index_cast %parallel_loop3A_162 : i32 to index
      %parallel_loop3A_164 = arith.index_cast %parallel_loop3A_7 : i32 to index
      %parallel_loop3A_165 = tpu.vector_load %arg7[%parallel_loop3A_163, %parallel_loop3A_164] {strides = array<i32>} : memref<32x1024xf32, #tpu.memory_space<vmem>>, vector<16xf32>,
      tpu.vector_store %arg7[%parallel_loop3A_163, %parallel_loop3A_164], %parallel_loop3A_37 {strides = array<i32>} : memref<32x1024xf32, #tpu.memory_space<vmem>>, vector<16xf32>,
      %parallel_loop3A_166 = arith.constant 7 : i32
      %parallel_loop3A_167 = arith.index_cast %parallel_loop3A_166 : i32 to index
      %parallel_loop3A_168 = arith.index_cast %parallel_loop3A_7 : i32 to index
      %parallel_loop3A_169 = tpu.vector_load %arg7[%parallel_loop3A_167, %parallel_loop3A_168] {strides = array<i32>} : memref<32x1024xf32, #tpu.memory_space<vmem>>, vector<16xf32>,
      tpu.vector_store %arg7[%parallel_loop3A_167, %parallel_loop3A_168], %parallel_loop3A_41 {strides = array<i32>} : memref<32x1024xf32, #tpu.memory_space<vmem>>, vector<16xf32>,
      %parallel_loop3A_170 = arith.constant 8 : i32
      %parallel_loop3A_171 = arith.index_cast %parallel_loop3A_170 : i32 to index
      %parallel_loop3A_172 = arith.index_cast %parallel_loop3A_7 : i32 to index
      %parallel_loop3A_173 = tpu.vector_load %arg7[%parallel_loop3A_171, %parallel_loop3A_172] {strides = array<i32>} : memref<32x1024xf32, #tpu.memory_space<vmem>>, vector<16xf32>,
      tpu.vector_store %arg7[%parallel_loop3A_171, %parallel_loop3A_172], %parallel_loop3A_45 {strides = array<i32>} : memref<32x1024xf32, #tpu.memory_space<vmem>>, vector<16xf32>,
      %parallel_loop3A_174 = arith.constant 9 : i32
      %parallel_loop3A_175 = arith.index_cast %parallel_loop3A_174 : i32 to index
      %parallel_loop3A_176 = arith.index_cast %parallel_loop3A_7 : i32 to index
      %parallel_loop3A_177 = tpu.vector_load %arg7[%parallel_loop3A_175, %parallel_loop3A_176] {strides = array<i32>} : memref<32x1024xf32, #tpu.memory_space<vmem>>, vector<16xf32>,
      tpu.vector_store %arg7[%parallel_loop3A_175, %parallel_loop3A_176], %parallel_loop3A_49 {strides = array<i32>} : memref<32x1024xf32, #tpu.memory_space<vmem>>, vector<16xf32>,
      %parallel_loop3A_178 = arith.constant 10 : i32
      %parallel_loop3A_179 = arith.index_cast %parallel_loop3A_178 : i32 to index
      %parallel_loop3A_180 = arith.index_cast %parallel_loop3A_7 : i32 to index
      %parallel_loop3A_181 = tpu.vector_load %arg7[%parallel_loop3A_179, %parallel_loop3A_180] {strides = array<i32>} : memref<32x1024xf32, #tpu.memory_space<vmem>>, vector<16xf32>,
      tpu.vector_store %arg7[%parallel_loop3A_179, %parallel_loop3A_180], %parallel_loop3A_53 {strides = array<i32>} : memref<32x1024xf32, #tpu.memory_space<vmem>>, vector<16xf32>,
      %parallel_loop3A_182 = arith.constant 11 : i32
      %parallel_loop3A_183 = arith.index_cast %parallel_loop3A_182 : i32 to index
      %parallel_loop3A_184 = arith.index_cast %parallel_loop3A_7 : i32 to index
      %parallel_loop3A_185 = tpu.vector_load %arg7[%parallel_loop3A_183, %parallel_loop3A_184] {strides = array<i32>} : memref<32x1024xf32, #tpu.memory_space<vmem>>, vector<16xf32>,
      tpu.vector_store %arg7[%parallel_loop3A_183, %parallel_loop3A_184], %parallel_loop3A_57 {strides = array<i32>} : memref<32x1024xf32, #tpu.memory_space<vmem>>, vector<16xf32>,
      %parallel_loop3A_186 = arith.constant 12 : i32
      %parallel_loop3A_187 = arith.index_cast %parallel_loop3A_186 : i32 to index
      %parallel_loop3A_188 = arith.index_cast %parallel_loop3A_7 : i32 to index
      %parallel_loop3A_189 = tpu.vector_load %arg7[%parallel_loop3A_187, %parallel_loop3A_188] {strides = array<i32>} : memref<32x1024xf32, #tpu.memory_space<vmem>>, vector<16xf32>,
      tpu.vector_store %arg7[%parallel_loop3A_187, %parallel_loop3A_188], %parallel_loop3A_61 {strides = array<i32>} : memref<32x1024xf32, #tpu.memory_space<vmem>>, vector<16xf32>,
      %parallel_loop3A_190 = arith.constant 13 : i32
      %parallel_loop3A_191 = arith.index_cast %parallel_loop3A_190 : i32 to index
      %parallel_loop3A_192 = arith.index_cast %parallel_loop3A_7 : i32 to index
      %parallel_loop3A_193 = tpu.vector_load %arg7[%parallel_loop3A_191, %parallel_loop3A_192] {strides = array<i32>} : memref<32x1024xf32, #tpu.memory_space<vmem>>, vector<16xf32>,
      tpu.vector_store %arg7[%parallel_loop3A_191, %parallel_loop3A_192], %parallel_loop3A_65 {strides = array<i32>} : memref<32x1024xf32, #tpu.memory_space<vmem>>, vector<16xf32>,
      %parallel_loop3A_194 = arith.constant 14 : i32
      %parallel_loop3A_195 = arith.index_cast %parallel_loop3A_194 : i32 to index
      %parallel_loop3A_196 = arith.index_cast %parallel_loop3A_7 : i32 to index
      %parallel_loop3A_197 = tpu.vector_load %arg7[%parallel_loop3A_195, %parallel_loop3A_196] {strides = array<i32>} : memref<32x1024xf32, #tpu.memory_space<vmem>>, vector<16xf32>,
      tpu.vector_store %arg7[%parallel_loop3A_195, %parallel_loop3A_196], %parallel_loop3A_69 {strides = array<i32>} : memref<32x1024xf32, #tpu.memory_space<vmem>>, vector<16xf32>,
      %parallel_loop3A_198 = arith.constant 15 : i32
      %parallel_loop3A_199 = arith.index_cast %parallel_loop3A_198 : i32 to index
      %parallel_loop3A_200 = arith.index_cast %parallel_loop3A_7 : i32 to index
      %parallel_loop3A_201 = tpu.vector_load %arg7[%parallel_loop3A_199, %parallel_loop3A_200] {strides = array<i32>} : memref<32x1024xf32, #tpu.memory_space<vmem>>, vector<16xf32>,
      tpu.vector_store %arg7[%parallel_loop3A_199, %parallel_loop3A_200], %parallel_loop3A_73 {strides = array<i32>} : memref<32x1024xf32, #tpu.memory_space<vmem>>, vector<16xf32>,
      %parallel_loop3A_202 = arith.constant 16 : i32
      %parallel_loop3A_203 = arith.index_cast %parallel_loop3A_202 : i32 to index
      %parallel_loop3A_204 = arith.index_cast %parallel_loop3A_7 : i32 to index
      %parallel_loop3A_205 = tpu.vector_load %arg7[%parallel_loop3A_203, %parallel_loop3A_204] {strides = array<i32>} : memref<32x1024xf32, #tpu.memory_space<vmem>>, vector<16xf32>,
      tpu.vector_store %arg7[%parallel_loop3A_203, %parallel_loop3A_204], %parallel_loop3A_77 {strides = array<i32>} : memref<32x1024xf32, #tpu.memory_space<vmem>>, vector<16xf32>,
      %parallel_loop3A_206 = arith.constant 17 : i32
      %parallel_loop3A_207 = arith.index_cast %parallel_loop3A_206 : i32 to index
      %parallel_loop3A_208 = arith.index_cast %parallel_loop3A_7 : i32 to index
      %parallel_loop3A_209 = tpu.vector_load %arg7[%parallel_loop3A_207, %parallel_loop3A_208] {strides = array<i32>} : memref<32x1024xf32, #tpu.memory_space<vmem>>, vector<16xf32>,
      tpu.vector_store %arg7[%parallel_loop3A_207, %parallel_loop3A_208], %parallel_loop3A_81 {strides = array<i32>} : memref<32x1024xf32, #tpu.memory_space<vmem>>, vector<16xf32>,
      %parallel_loop3A_210 = arith.constant 18 : i32
      %parallel_loop3A_211 = arith.index_cast %parallel_loop3A_210 : i32 to index
      %parallel_loop3A_212 = arith.index_cast %parallel_loop3A_7 : i32 to index
      %parallel_loop3A_213 = tpu.vector_load %arg7[%parallel_loop3A_211, %parallel_loop3A_212] {strides = array<i32>} : memref<32x1024xf32, #tpu.memory_space<vmem>>, vector<16xf32>,
      tpu.vector_store %arg7[%parallel_loop3A_211, %parallel_loop3A_212], %parallel_loop3A_85 {strides = array<i32>} : memref<32x1024xf32, #tpu.memory_space<vmem>>, vector<16xf32>,
      %parallel_loop3A_214 = arith.constant 19 : i32
      %parallel_loop3A_215 = arith.index_cast %parallel_loop3A_214 : i32 to index
      %parallel_loop3A_216 = arith.index_cast %parallel_loop3A_7 : i32 to index
      %parallel_loop3A_217 = tpu.vector_load %arg7[%parallel_loop3A_215, %parallel_loop3A_216] {strides = array<i32>} : memref<32x1024xf32, #tpu.memory_space<vmem>>, vector<16xf32>,
      tpu.vector_store %arg7[%parallel_loop3A_215, %parallel_loop3A_216], %parallel_loop3A_89 {strides = array<i32>} : memref<32x1024xf32, #tpu.memory_space<vmem>>, vector<16xf32>,
      %parallel_loop3A_218 = arith.constant 20 : i32
      %parallel_loop3A_219 = arith.index_cast %parallel_loop3A_218 : i32 to index
      %parallel_loop3A_220 = arith.index_cast %parallel_loop3A_7 : i32 to index
      %parallel_loop3A_221 = tpu.vector_load %arg7[%parallel_loop3A_219, %parallel_loop3A_220] {strides = array<i32>} : memref<32x1024xf32, #tpu.memory_space<vmem>>, vector<16xf32>,
      tpu.vector_store %arg7[%parallel_loop3A_219, %parallel_loop3A_220], %parallel_loop3A_93 {strides = array<i32>} : memref<32x1024xf32, #tpu.memory_space<vmem>>, vector<16xf32>,
      %parallel_loop3A_222 = arith.constant 21 : i32
      %parallel_loop3A_223 = arith.index_cast %parallel_loop3A_222 : i32 to index
      %parallel_loop3A_224 = arith.index_cast %parallel_loop3A_7 : i32 to index
      %parallel_loop3A_225 = tpu.vector_load %arg7[%parallel_loop3A_223, %parallel_loop3A_224] {strides = array<i32>} : memref<32x1024xf32, #tpu.memory_space<vmem>>, vector<16xf32>,
      tpu.vector_store %arg7[%parallel_loop3A_223, %parallel_loop3A_224], %parallel_loop3A_97 {strides = array<i32>} : memref<32x1024xf32, #tpu.memory_space<vmem>>, vector<16xf32>,
      %parallel_loop3A_226 = arith.constant 22 : i32
      %parallel_loop3A_227 = arith.index_cast %parallel_loop3A_226 : i32 to index
      %parallel_loop3A_228 = arith.index_cast %parallel_loop3A_7 : i32 to index
      %parallel_loop3A_229 = tpu.vector_load %arg7[%parallel_loop3A_227, %parallel_loop3A_228] {strides = array<i32>} : memref<32x1024xf32, #tpu.memory_space<vmem>>, vector<16xf32>,
      tpu.vector_store %arg7[%parallel_loop3A_227, %parallel_loop3A_228], %parallel_loop3A_101 {strides = array<i32>} : memref<32x1024xf32, #tpu.memory_space<vmem>>, vector<16xf32>,
      %parallel_loop3A_230 = arith.constant 23 : i32
      %parallel_loop3A_231 = arith.index_cast %parallel_loop3A_230 : i32 to index
      %parallel_loop3A_232 = arith.index_cast %parallel_loop3A_7 : i32 to index
      %parallel_loop3A_233 = tpu.vector_load %arg7[%parallel_loop3A_231, %parallel_loop3A_232] {strides = array<i32>} : memref<32x1024xf32, #tpu.memory_space<vmem>>, vector<16xf32>,
      tpu.vector_store %arg7[%parallel_loop3A_231, %parallel_loop3A_232], %parallel_loop3A_105 {strides = array<i32>} : memref<32x1024xf32, #tpu.memory_space<vmem>>, vector<16xf32>,
      %parallel_loop3A_234 = arith.constant 24 : i32
      %parallel_loop3A_235 = arith.index_cast %parallel_loop3A_234 : i32 to index
      %parallel_loop3A_236 = arith.index_cast %parallel_loop3A_7 : i32 to index
      %parallel_loop3A_237 = tpu.vector_load %arg7[%parallel_loop3A_235, %parallel_loop3A_236] {strides = array<i32>} : memref<32x1024xf32, #tpu.memory_space<vmem>>, vector<16xf32>,
      tpu.vector_store %arg7[%parallel_loop3A_235, %parallel_loop3A_236], %parallel_loop3A_109 {strides = array<i32>} : memref<32x1024xf32, #tpu.memory_space<vmem>>, vector<16xf32>,
      %parallel_loop3A_238 = arith.constant 25 : i32
      %parallel_loop3A_239 = arith.index_cast %parallel_loop3A_238 : i32 to index
      %parallel_loop3A_240 = arith.index_cast %parallel_loop3A_7 : i32 to index
      %parallel_loop3A_241 = tpu.vector_load %arg7[%parallel_loop3A_239, %parallel_loop3A_240] {strides = array<i32>} : memref<32x1024xf32, #tpu.memory_space<vmem>>, vector<16xf32>,
      tpu.vector_store %arg7[%parallel_loop3A_239, %parallel_loop3A_240], %parallel_loop3A_113 {strides = array<i32>} : memref<32x1024xf32, #tpu.memory_space<vmem>>, vector<16xf32>,
      %parallel_loop3A_242 = arith.constant 26 : i32
      %parallel_loop3A_243 = arith.index_cast %parallel_loop3A_242 : i32 to index
      %parallel_loop3A_244 = arith.index_cast %parallel_loop3A_7 : i32 to index
      %parallel_loop3A_245 = tpu.vector_load %arg7[%parallel_loop3A_243, %parallel_loop3A_244] {strides = array<i32>} : memref<32x1024xf32, #tpu.memory_space<vmem>>, vector<16xf32>,
      tpu.vector_store %arg7[%parallel_loop3A_243, %parallel_loop3A_244], %parallel_loop3A_117 {strides = array<i32>} : memref<32x1024xf32, #tpu.memory_space<vmem>>, vector<16xf32>,
      %parallel_loop3A_246 = arith.constant 27 : i32
      %parallel_loop3A_247 = arith.index_cast %parallel_loop3A_246 : i32 to index
      %parallel_loop3A_248 = arith.index_cast %parallel_loop3A_7 : i32 to index
      %parallel_loop3A_249 = tpu.vector_load %arg7[%parallel_loop3A_247, %parallel_loop3A_248] {strides = array<i32>} : memref<32x1024xf32, #tpu.memory_space<vmem>>, vector<16xf32>,
      tpu.vector_store %arg7[%parallel_loop3A_247, %parallel_loop3A_248], %parallel_loop3A_121 {strides = array<i32>} : memref<32x1024xf32, #tpu.memory_space<vmem>>, vector<16xf32>,
      %parallel_loop3A_250 = arith.constant 28 : i32
      %parallel_loop3A_251 = arith.index_cast %parallel_loop3A_250 : i32 to index
      %parallel_loop3A_252 = arith.index_cast %parallel_loop3A_7 : i32 to index
      %parallel_loop3A_253 = tpu.vector_load %arg7[%parallel_loop3A_251, %parallel_loop3A_252] {strides = array<i32>} : memref<32x1024xf32, #tpu.memory_space<vmem>>, vector<16xf32>,
      tpu.vector_store %arg7[%parallel_loop3A_251, %parallel_loop3A_252], %parallel_loop3A_125 {strides = array<i32>} : memref<32x1024xf32, #tpu.memory_space<vmem>>, vector<16xf32>,
      %parallel_loop3A_254 = arith.constant 29 : i32
      %parallel_loop3A_255 = arith.index_cast %parallel_loop3A_254 : i32 to index
      %parallel_loop3A_256 = arith.index_cast %parallel_loop3A_7 : i32 to index
      %parallel_loop3A_257 = tpu.vector_load %arg7[%parallel_loop3A_255, %parallel_loop3A_256] {strides = array<i32>} : memref<32x1024xf32, #tpu.memory_space<vmem>>, vector<16xf32>,
      tpu.vector_store %arg7[%parallel_loop3A_255, %parallel_loop3A_256], %parallel_loop3A_129 {strides = array<i32>} : memref<32x1024xf32, #tpu.memory_space<vmem>>, vector<16xf32>,
      %parallel_loop3A_258 = arith.constant 30 : i32
      %parallel_loop3A_259 = arith.index_cast %parallel_loop3A_258 : i32 to index
      %parallel_loop3A_260 = arith.index_cast %parallel_loop3A_7 : i32 to index
      %parallel_loop3A_261 = tpu.vector_load %arg7[%parallel_loop3A_259, %parallel_loop3A_260] {strides = array<i32>} : memref<32x1024xf32, #tpu.memory_space<vmem>>, vector<16xf32>,
      tpu.vector_store %arg7[%parallel_loop3A_259, %parallel_loop3A_260], %parallel_loop3A_133 {strides = array<i32>} : memref<32x1024xf32, #tpu.memory_space<vmem>>, vector<16xf32>,
      %parallel_loop3A_262 = arith.constant 31 : i32
      %parallel_loop3A_263 = arith.index_cast %parallel_loop3A_262 : i32 to index
      %parallel_loop3A_264 = arith.index_cast %parallel_loop3A_7 : i32 to index
      %parallel_loop3A_265 = tpu.vector_load %arg7[%parallel_loop3A_263, %parallel_loop3A_264] {strides = array<i32>} : memref<32x1024xf32, #tpu.memory_space<vmem>>, vector<16xf32>,
      tpu.vector_store %arg7[%parallel_loop3A_263, %parallel_loop3A_264], %parallel_loop3A_137 {strides = array<i32>} : memref<32x1024xf32, #tpu.memory_space<vmem>>, vector<16xf32>,
    } {sc.loop_unroll_factor = 2 : i64, sc.parallel_access}
    "tpu.region"() ({
      %run_scoped3A = tpu.sem_alloc : memref<!tpu.dma_semaphore, #tpu.memory_space<semaphore_mem>>
      %dma_start3A = arith.constant 0 : i32
      %dma_start3A_5 = tpu.memref_slice %arg4[%arg1, %mul3A_0, %dma_start3A] : memref<16x64x1024xf32, #tpu.memory_space<hbm>> -> memref<1x32x1024xf32, #tpu.memory_space<hbm>>
      %dma_start3A_6 = tpu.memref_squeeze %dma_start3A_5 : memref<1x32x1024xf32, #tpu.memory_space<hbm>> -> memref<32x1024xf32, #tpu.memory_space<hbm>>
      %dma_start3A_7 = arith.constant 0 : i32
      %dma_start3A_8 = tpu.memref_slice %arg4[%arg1, %mul3A_0, %dma_start3A_7] : memref<16x64x1024xf32, #tpu.memory_space<hbm>> -> memref<1x32x1024xf32, #tpu.memory_space<hbm>>
      %dma_start3A_9 = tpu.memref_squeeze %dma_start3A_8 : memref<1x32x1024xf32, #tpu.memory_space<hbm>> -> memref<32x1024xf32, #tpu.memory_space<hbm>>
      tpu.enqueue_dma source(%arg7 : memref<32x1024xf32, #tpu.memory_space<vmem>>) target(%dma_start3A_9 : memref<32x1024xf32, #tpu.memory_space<hbm>>) target_semaphore(%run_scoped3A : memref<!tpu.dma_semaphore, #tpu.memory_space<semaphore_mem>>)
      %dma_wait3A = arith.constant 0 : i32
      %dma_wait3A_10 = tpu.memref_slice %arg4[%arg1, %mul3A_0, %dma_wait3A] : memref<16x64x1024xf32, #tpu.memory_space<hbm>> -> memref<1x32x1024xf32, #tpu.memory_space<hbm>>
      %dma_wait3A_11 = tpu.memref_squeeze %dma_wait3A_10 : memref<1x32x1024xf32, #tpu.memory_space<hbm>> -> memref<32x1024xf32, #tpu.memory_space<hbm>>
      %dma_wait3A_12 = arith.constant 0 : i32
      %dma_wait3A_13 = tpu.memref_slice %arg4[%arg1, %mul3A_0, %dma_wait3A_12] : memref<16x64x1024xf32, #tpu.memory_space<hbm>> -> memref<1x32x1024xf32, #tpu.memory_space<hbm>>
      %dma_wait3A_14 = tpu.memref_squeeze %dma_wait3A_13 : memref<1x32x1024xf32, #tpu.memory_space<hbm>> -> memref<32x1024xf32, #tpu.memory_space<hbm>>
      tpu.wait_dma2 semaphore(%run_scoped3A : memref<!tpu.dma_semaphore, #tpu.memory_space<semaphore_mem>>) src(%arg7 : memref<32x1024xf32, #tpu.memory_space<vmem>>) dst(%dma_wait3A_14 : memref<32x1024xf32, #tpu.memory_space<hbm>>)
      tpu.yield
    }) : () -> ()
    return
  }
}

module attributes {stable_mosaic.version = 14 : i64} {
  func.func @_tc_argmin_body(%arg0: i32, %arg1: memref<1024x64xf32, #tpu.memory_space<vmem>>, %arg2: memref<1x64x1024xf32, #tpu.memory_space<vmem>>, %arg3: memref<1x1x1024xi32, #tpu.memory_space<vmem>>, %arg4: memref<1x1xf32, #tpu.memory_space<smem>>) attributes {dimension_semantics = [#tpu.dimension_semantics<arbitrary>], iteration_bounds = array<i64: 16>, scalar_prefetch = 0 : i64, scratch_operands = 0 : i64, tpu.core_type = #tpu.core_type<tc>, window_params = [{pipeline_mode = #tpu.pipeline_mode<synchronous>, transform_indices = @transform_0, window_bounds = array<i64: 1024, 64>}, {transform_indices = @transform_1, window_bounds = array<i64: 1, 64, 1024>}, {transform_indices = @transform_2, window_bounds = array<i64: 1, 1, 1024>}, {transform_indices = @transform_3, window_bounds = array<i64: 1, 1>}]} {
    %get3A = arith.constant 0 : index
    %get3A_0 = arith.constant 0 : index
    %get3A_1 = vector.load %arg1[%get3A, %get3A_0] : memref<1024x64xf32, #tpu.memory_space<vmem>>, vector<1024x64xf32>
    %get3A_2 = arith.constant 0 : index
    %get3A_3 = arith.constant 0 : index
    %get3A_4 = arith.constant 0 : index
    %get3A_5 = vector.load %arg2[%get3A_2, %get3A_3, %get3A_4] : memref<1x64x1024xf32, #tpu.memory_space<vmem>>, vector<1x64x1024xf32>
    %get3A_6 = vector.shape_cast %get3A_5 : vector<1x64x1024xf32> to vector<64x1024xf32>
    %dot_general3A = arith.constant dense<0.000000e+00> : vector<1024x1024xf32>
    %dot_general3A_7 = tpu.matmul %get3A_1, %get3A_6, %dot_general3A {dimension_numbers = #tpu.dot_dimension_numbers<[1], [0], [0], [1], [0, 0, 1, 1], [], []>, transpose_lhs_hint = false} : vector<1024x64xf32>, vector<64x1024xf32>, vector<1024x1024xf32> -> vector<1024x1024xf32>
    %mul3A = arith.mulf %get3A_1, %get3A_1 : vector<1024x64xf32>
    %reduce_sum3A = arith.constant dense<0.000000e+00> : vector<1024xf32>
    %reduce_sum3A_8 = vector.multi_reduction <add>, %mul3A, %reduce_sum3A [1] : vector<1024x64xf32> to vector<1024xf32>
    %mul3A_9 = arith.mulf %get3A_6, %get3A_6 : vector<64x1024xf32>
    %reduce_sum3A_10 = arith.constant dense<0.000000e+00> : vector<1024xf32>
    %reduce_sum3A_11 = vector.multi_reduction <add>, %mul3A_9, %reduce_sum3A_10 [0] : vector<64x1024xf32> to vector<1024xf32>
    %broadcast_in_dim3A = vector.shape_cast %reduce_sum3A_11 : vector<1024xf32> to vector<1x1024xf32>
    %broadcast_in_dim3A_12 = vector.shape_cast %reduce_sum3A_8 : vector<1024xf32> to vector<1024x1xf32>
    %add3A = vector.broadcast %broadcast_in_dim3A : vector<1x1024xf32> to vector<1024x1024xf32>
    %add3A_13 = vector.broadcast %broadcast_in_dim3A_12 : vector<1024x1xf32> to vector<1024x1024xf32>
    %add3A_14 = arith.addf %add3A, %add3A_13 : vector<1024x1024xf32>
    %mul3A_15 = arith.constant 2.000000e+00 : f32
    %mul3A_16 = vector.broadcast %mul3A_15 : f32 to vector<1024x1024xf32>
    %mul3A_17 = arith.mulf %mul3A_16, %dot_general3A_7 : vector<1024x1024xf32>
    %sub3A = arith.subf %add3A_14, %mul3A_17 : vector<1024x1024xf32>
    %reduce_min3A = arith.constant dense<0x7F800000> : vector<1024xf32>
    %reduce_min3A_18 = vector.multi_reduction <minimumf>, %sub3A, %reduce_min3A [0] : vector<1024x1024xf32> to vector<1024xf32>
    %argmin3A = tpu.reduce_index %sub3A {axis = 0 : i32, kind = #tpu.reduction_kind<arg_min>} : vector<1024x1024xf32> -> vector<1024xi32>
    %swap3A = arith.constant 0 : index
    %swap3A_19 = arith.constant 0 : index
    %swap3A_20 = arith.constant 0 : index
    %swap3A_21 = vector.load %arg3[%swap3A, %swap3A_19, %swap3A_20] : memref<1x1x1024xi32, #tpu.memory_space<vmem>>, vector<1x1x1024xi32>
    %swap3A_22 = vector.shape_cast %swap3A_21 : vector<1x1x1024xi32> to vector<1024xi32>
    %swap3A_23 = vector.shape_cast %argmin3A : vector<1024xi32> to vector<1x1x1024xi32>
    tpu.vector_store %arg3[%swap3A, %swap3A_19, %swap3A_20], %swap3A_23 {strides = array<i32>} : memref<1x1x1024xi32, #tpu.memory_space<vmem>>, vector<1x1x1024xi32>,
    %eq3A = arith.constant 0 : i32
    %eq3A_24 = arith.cmpi eq, %arg0, %eq3A : i32
    %convert_element_type3A = arith.extui %eq3A_24 : i1 to i32
    %cond3A = arith.constant 0 : i32
    %cond3A_25 = arith.cmpi ne, %convert_element_type3A, %cond3A : i32
    scf.if %cond3A_25 {
      %swap3A_40 = arith.constant 0.000000e+00 : f32
      %swap3A_41 = arith.constant 0 : index
      %swap3A_42 = arith.constant 0 : index
      %swap3A_43 = memref.load %arg4[%swap3A_41, %swap3A_42] : memref<1x1xf32, #tpu.memory_space<smem>>
      memref.store %swap3A_40, %arg4[%swap3A_41, %swap3A_42] : memref<1x1xf32, #tpu.memory_space<smem>>
    } else {
    }
    %get3A_26 = arith.constant 0 : index
    %get3A_27 = arith.constant 0 : index
    %get3A_28 = memref.load %arg4[%get3A_26, %get3A_27] : memref<1x1xf32, #tpu.memory_space<smem>>
    %reduce_sum3A_29 = vector.shape_cast %reduce_min3A_18 : vector<1024xf32> to vector<1x1024xf32>
    %reduce_sum3A_30 = arith.constant dense<0.000000e+00> : vector<1xf32>
    %reduce_sum3A_31 = vector.multi_reduction <add>, %reduce_sum3A_29, %reduce_sum3A_30 [1] : vector<1x1024xf32> to vector<1xf32>
    %reduce_sum3A_32 = vector.shape_cast %reduce_sum3A_31 : vector<1xf32> to vector<1x1xf32>
    %reduce_sum3A_33 = vector.extract %reduce_sum3A_32[0, 0] : f32 from vector<1x1xf32>
    %mul3A_34 = arith.constant 1.1920929E-6 : f32
    %mul3A_35 = arith.mulf %reduce_sum3A_33, %mul3A_34 : f32
    %add3A_36 = arith.addf %get3A_28, %mul3A_35 : f32
    %swap3A_37 = arith.constant 0 : index
    %swap3A_38 = arith.constant 0 : index
    %swap3A_39 = memref.load %arg4[%swap3A_37, %swap3A_38] : memref<1x1xf32, #tpu.memory_space<smem>>
    memref.store %add3A_36, %arg4[%swap3A_37, %swap3A_38] : memref<1x1xf32, #tpu.memory_space<smem>>
    return
  }
  func.func @transform_0(%arg0: i32) -> (i32, i32) {
    %c0_i32 = arith.constant 0 : i32
    %c0_i32_0 = arith.constant 0 : i32
    %c0_i32_1 = arith.constant 0 : i32
    return %c0_i32, %c0_i32_0 : i32, i32
  }
  func.func @transform_1(%arg0: i32) -> (i32, i32, i32) {
    %c0_i32 = arith.constant 0 : i32
    %c0_i32_0 = arith.constant 0 : i32
    %c0_i32_1 = arith.constant 0 : i32
    return %arg0, %c0_i32, %c0_i32_0 : i32, i32, i32
  }
  func.func @transform_2(%arg0: i32) -> (i32, i32, i32) {
    %c0_i32 = arith.constant 0 : i32
    %c0_i32_0 = arith.constant 0 : i32
    %c0_i32_1 = arith.constant 0 : i32
    return %arg0, %c0_i32, %c0_i32_0 : i32, i32, i32
  }
  func.func @transform_3(%arg0: i32) -> (i32, i32) {
    %c0_i32 = arith.constant 0 : i32
    %c0_i32_0 = arith.constant 0 : i32
    %c0_i32_1 = arith.constant 0 : i32
    return %c0_i32, %c0_i32_0 : i32, i32
  }
}

</mosaic_0001>

<sc_bundles>
// kernel: kernel.4.cloned.1.call-start
scs
__scs_entry_jumppad:
0x0: {  	(pc) =	sbr.rel $0x88, $3  }
0x1: {  	(tag) =	ssettag $0x0;
	lr =	simm.s32 $0x1  }
0x2: {  	[smem:$0x3F9F] =	sst lr;
	_ =	strace $0xD0000000  }
0x3: {  	_ = 	snop  }
0x4: {  	_ = 	snop  }
0x5: {  	_ = 	snop  }
0x6: {  	_ = 	snop  }
0x7: {  	_ = 	snop  }
__scs_overlays_trampoline_lowered:
0x8: {  	[smem:$0x3FAE] =	sst s0  }
0x9: {  	[smem:$0x3FAF] =	sst s1  }
0xa: {  	[smem:$0x3FB0] =	sst s2  }
0xb: {  	[smem:$0x3FB1] =	sst s3  }
0xc: {  	[smem:$0x3FB2] =	sst s4  }
0xd: {  	[smem:$0x3FB3] =	sst s5  }
0xe: {  	[smem:$0x3FB4] =	sst s6  }
0xf: {  	[smem:$0x3FB5] =	sst s7  }
0x10: {  	[smem:$0x3FB6] =	sst s8  }
0x11: {  	[smem:$0x3FB7] =	sst s9;
	s0 =	simm.s32 @!p0 $0x0  }
0x12: {  	s1 =	sld [smem:$0x3F9D];
	s0 =	simm.s32 @p0 $0x1  }
0x13: {  	[smem:$0x3FB8] =	sst s0;
	s0 =	simm.s32 @!p1 $0x0  }
0x14: {  	s2 =	sld [smem:$0x3F9C];
	s0 =	simm.s32 @p1 $0x1  }
0x15: {  	[smem:$0x3FB9] =	sst s0;
	s0 =	simm.s32 @!p2 $0x0  }
0x16: {  	s3 =	sld [smem:$0x3FDB];
	s0 =	simm.s32 @p2 $0x1  }
0x17: {  	s4 =	simm.s32 $0x1BF5;
	[smem:$0x3FBB] =	sst s0  }
0x18: {  	s0 =	sld [smem:$0x3F9E];
	_ =	swait.ge [sflag:s4], $0x0  }
0x19: {  	s7 =	sld [smem:$0x3F9F]  }
0x1a: {  	s8 =	sadd.s32 $0xFFFFE003, lr  }
0x1b: {  	s9 =	sadd.s32 $0xFFFFFEF7, lr;
	s5 =	simm.s32 $0xFFFFFFFF;
	p2 =	slt.u32 s8, $0xFFFFF086  }
0x1c: {  	p1 =	slt.u32 s9, $0xF7A;
	s5 =	simm.s32 @!p2 $0x0  }
0x1d: {  	s5 =	simm.s32 @p1 $0x1;
	p0 =	seq.s32 s7, s2  }
0x1e: {  	s7 =	smul.u32 @!p0 $0xF7A, s2;
	p2 =	seq.s32 @!p0 s5, $0x0  }
0x1f: {  	s9 =	smul.u32 $0xF7A, s1;
	s8 =	simm.s32 @!p0 $0x1BF5;
	p2 =	por !p2, p0  }
0x20: {  	[sflag:s8] =	ssyncset.s32 @!p0 $0xFFFFF086;
	s6 =	sadd.s32 @!p0 s3, s7;
	s7 =	simm.s32 @!p0 $0x108  }
0x21: {  	s3 =	sadd.s32 s3, s9;
	s6 =	sadd.s32 @!p0 $0x88, s6;
	s7 =	simm.s32 @p2 $0x1082  }
0x22: {  	[simem:s7], [sflag:s8] =	dma.local @!p0 [hbm:s6], $0xF7A  }
0x23: {  	s9 =	sor.u32 $0xD0000000, s2;
	s6 =	simm.s32 $0x108;
	_ =	swait.ge @!p0 [sflag:s8], $0x0  }
0x24: {  	s3 =	sadd.s32 $0x88, s3;
	s6 =	simm.s32 @!p1 $0x1082;
	[sflag:s4] =	ssyncset.s32 $0xFFFFF086  }
0x25: {  	[simem:s6], [sflag:s4] =	dma.local [hbm:s3], $0xF7A  }
0x26: {  	[smem:$0x3F9F] =	sst s1;
	(tag) =	ssettag s2;
	_ =	strace s9  }
0x27: {  	s1 =	sld [smem:$0x3FAF]  }
0x28: {  	s2 =	sld [smem:$0x3FB0]  }
0x29: {  	s4 =	sld [smem:$0x3FB2]  }
0x2a: {  	p0 =	seq.s32 s5, $0x0;
	s5 =	sld [smem:$0x3FB3]  }
0x2b: {  	s6 =	sld [smem:$0x3FB4]  }
0x2c: {  	s7 =	sld [smem:$0x3FB5]  }
0x2d: {  	s3 =	simm.s32 $0x108;
	s8 =	sld [smem:$0x3FB6]  }
0x2e: {  	s3 =	simm.s32 @!p0 $0x1082;
	s9 =	sld [smem:$0x3FB7]  }
0x2f: {  	lr =	sadd.s32 s0, s3;
	s0 =	sld [smem:$0x3FAE]  }
0x30: {  	s3 =	sld [smem:$0x3FB1]  }
0x31: {  	[smem:$0x3FBA] =	sst s10  }
0x32: {  	s10 =	sld [smem:$0x3FB8];
	_ =	sdelay $0x3  }
0x33: {  	p0 =	seq.s32 s10, $0x1;
	s10 =	sld [smem:$0x3FBA];
	_ =	sdelay $0x3  }
0x34: {  	[smem:$0x3FBA] =	sst s10  }
0x35: {  	s10 =	sld [smem:$0x3FB9];
	_ =	sdelay $0x3  }
0x36: {  	p1 =	seq.s32 s10, $0x1;
	s10 =	sld [smem:$0x3FBA];
	_ =	sdelay $0x3  }
0x37: {  	[smem:$0x3FBA] =	sst s10  }
0x38: {  	s10 =	sld [smem:$0x3FBB]  }
0x39: {  	_ = 	snop;
	(pc) =	sbr.ind lr, $3  }
0x3a: {  	_ = 	snop  }
0x3b: {  	_ = 	snop  }
0x3c: {  	p2 =	seq.s32 s10, $0x1;
	s10 =	sld [smem:$0x3FBA]  }
0x3d: {  	_ =	shalt  }
0x3e: {  	_ =	shalt  }
0x3f: {  	_ =	shalt  }
0x40: {  	_ =	shalt  }
0x41: {  	_ =	shalt  }
0x42: {  	_ =	shalt  }
0x43: {  	_ =	shalt  }
0x44: {  	_ =	shalt  }
0x45: {  	_ =	shalt  }
0x46: {  	_ =	shalt  }
0x47: {  	_ =	shalt  }
0x48: {  	_ =	shalt  }
0x49: {  	_ =	shalt  }
0x4a: {  	_ =	shalt  }
0x4b: {  	_ =	shalt  }
0x4c: {  	_ =	shalt  }
0x4d: {  	_ =	shalt  }
0x4e: {  	_ =	shalt  }
0x4f: {  	_ =	shalt  }
0x50: {  	_ =	shalt  }
0x51: {  	_ =	shalt  }
0x52: {  	_ =	shalt  }
0x53: {  	_ =	shalt  }
0x54: {  	_ =	shalt  }
0x55: {  	_ =	shalt  }
0x56: {  	_ =	shalt  }
0x57: {  	_ =	shalt  }
0x58: {  	_ =	shalt  }
0x59: {  	_ =	shalt  }
0x5a: {  	_ =	shalt  }
0x5b: {  	_ =	shalt  }
0x5c: {  	_ =	shalt  }
0x5d: {  	_ =	shalt  }
0x5e: {  	_ =	shalt  }
0x5f: {  	_ =	shalt  }
0x60: {  	_ =	shalt  }
0x61: {  	_ =	shalt  }
0x62: {  	_ =	shalt  }
0x63: {  	_ =	shalt  }
0x64: {  	_ =	shalt  }
0x65: {  	_ =	shalt  }
0x66: {  	_ =	shalt  }
0x67: {  	_ =	shalt  }
0x68: {  	_ =	shalt  }
0x69: {  	_ =	shalt  }
0x6a: {  	_ =	shalt  }
0x6b: {  	_ =	shalt  }
0x6c: {  	_ =	shalt  }
0x6d: {  	_ =	shalt  }
0x6e: {  	_ =	shalt  }
0x6f: {  	_ =	shalt  }
0x70: {  	_ =	shalt  }
0x71: {  	_ =	shalt  }
0x72: {  	_ =	shalt  }
0x73: {  	_ =	shalt  }
0x74: {  	_ =	shalt  }
0x75: {  	_ =	shalt  }
0x76: {  	_ =	shalt  }
0x77: {  	_ =	shalt  }
0x78: {  	_ =	shalt  }
0x79: {  	_ =	shalt  }
0x7a: {  	_ =	shalt  }
0x7b: {  	_ =	shalt  }
0x7c: {  	_ =	shalt  }
0x7d: {  	_ =	shalt  }
0x7e: {  	_ =	shalt  }
0x7f: {  	_ =	shalt  }
0x80: {  	_ =	shalt  }
0x81: {  	_ =	shalt  }
0x82: {  	_ =	shalt  }
0x83: {  	_ =	shalt  }
0x84: {  	_ =	shalt  }
0x85: {  	_ =	shalt  }
0x86: {  	_ =	shalt  }
0x87: {  	_ =	shalt  }
.Lfunc_end0:
.L_simem_size_0:
called_computation_lowered:
.L_overlay_start_0:
0x88: {  	s2 =	sld [smem:$0x3FD9]  }
0x89: {  	s3 =	sld [smem:$0x3FFE];
	_ =	sdelay $0x1  }
0x8a: {  	s1 =	srdreg.scid  }
0x8b: {  	s0 =	sand.u32 $0x1, s1  }
0x8c: {  	s14 =	sshll.u32 s0, $0xA;
	s2 =	sadd.s32 s3, s2  }
0x8d: {  	s2 =	sadd.s32 s2, s14  }
0x8e: {  	[smem:$0x3FC6] =	sst s2  }
0x8f: {  	_ = 	snop  }
0x90: {  	s2 =	sld [smem:$0x3FD0];
	_ =	sdelay $0x2  }
0x91: {  	s15 =	simm.s32 $0xA;
	s4 =	simm.s32 $0x10  }
0x92: {  	[smem:s4], [sflag:s15] =	dma.local [hbm:s2], $0x1  }
0x93: {  	_ =	swait.eq [sflag:s15], $0x1  }
0x94: {  	[sflag:s15] =	ssyncset.done $0x0  }
0x95: {  	[sflag:s15] =	ssyncadd.s32 $0xFFFFFFFF  }
0x96: {  	s16 =	sld [smem:$0x10];
	(tm) =	ssettm $0x1  }
0x97: {  	s17 =	sld [smem:$0x3FFB];
	_ =	sdelay $0x3  }
0x98: {  	_ =	strace s17  }
0x99: {  	s3 =	sld [smem:$0x3FFC];
	_ =	sdelay $0x3  }
0x9a: {  	_ =	strace s3  }
0x9b: {  	s3 =	sld [smem:$0x3FFD];
	_ =	sdelay $0x3  }
0x9c: {  	_ =	strace s3  }
0x9d: {  	_ =	strace $0x8FFFFFFF  }
0x9e: {  	s18 =	sld [smem:$0x3FDB];
	_ =	sdelay $0x1  }
0x9f: {  	s19 =	simm.s32 $_scs_section_size  }
0xa0: {  	s5 =	simm.s32 $_size__tile_overlayer_lowered;
	s6 =	simm.s32 $_tile_overlayer_lowered  }
0xa1: {  	s22 =	simm.s32 $0x1BFF;
	s21 =	sshll.u32 s6, $0x1;
	s3 =	sadd.s32 s19, s18  }
0xa2: {  	s7 =	simm.s32 $0x0;
	s20 =	sshll.u32 s5, $0x1;
	s5 =	sadd.s32 s21, s3  }
0xa3: {  	[timem:s7], [sflag:s22] =	dma.local [hbm:s5], s20  }
0xa4: {  	_ =	swait.ge [sflag:s22], s20  }
0xa5: {  	s4 =	ssub.s32 $0x0, s20;
	[sflag:s22] =	ssyncset.done $0x0  }
0xa6: {  	[sflag:s22] =	ssyncadd.s32 s4;
	_ =	sdelay $0x1  }
0xa7: {  	s23 =	simm.s32 $0x1B8B  }
0xa8: {  	_ =	swait.ge [sflag:s23], $0x1  }
0xa9: {  	[sflag:s23] =	ssyncset.done $0x0  }
0xaa: {  	s25 =	simm.s32 $0x1B8E;
	s24 =	sld [smem:$0x3FFE];
	[sflag:s23] =	ssyncadd.s32 $0xFFFFFFFF  }
0xab: {  	s26 =	simm.s32 $execute0_lowered;
	[smem:$0x3FD2] =	sst s25  }
0xac: {  	s5 =	sshll.u32 s26, $0x1;
	_ =	strace $0x80000046;
	[dreg:$0x1] =	wrdreg $0xFFFFFFFF  }
0xad: {  	s28 =	simm.s32 $_size_execute0_lowered;
	s3 =	sadd.s32 s3, s5;
	[dreg:$0x0] =	wrdreg $0x0  }
0xae: {  	s5 =	sshll.u32 s28, $0x1;
	[dreg:$0x2] =	wrdreg s3  }
0xaf: {  	[dreg:$0x3] =	wrdreg s5  }
0xb0: {  	[dreg:$0x4] =	wrdreg $0xC0  }
0xb1: {  	_ =	task [dreg:s7], $0x5FFFF  }
0xb2: {  	[dreg:$0x1] =	wrdreg $0xFFFFFFFF  }
0xb3: {  	[dreg:$0x0] =	wrdreg $0x60  }
0xb4: {  	[dreg:$0x2] =	wrdreg s16  }
0xb5: {  	[dreg:$0x3] =	wrdreg s24  }
0xb6: {  	[dreg:$0x4] =	wrdreg $0x9  }
0xb7: {  	_ =	task.clear_ibuf [dreg:s7], $0x5FFFF;
	_ =	strace $0x90000046  }
0xb8: {  	s29 =	simm.s32 $0x9;
	_ =	strace $0x80000048  }
0xb9: {  	_ =	swait.ge [sflag:s29], $0x1  }
0xba: {  	[sflag:s29] =	ssyncadd.s32 $0xFFFFFFFF  }
0xbb: {  	_ =	strace $0x90000048  }
0xbc: {  	_ =	sfence  }
0xbd: {  	s30 =	sld [smem:$0x0];
	_ =	sdelay $0x2  }
0xbe: {  	s31 =	sshll.u32 s1, $0xD;
	s1 =	sshrl.u32 s1, $0x2  }
0xbf: {  	s3 =	sand.u32 $0x4000, s31;
	s1 =	sadd.s32 s1, s30  }
0xc0: {  	s0 =	sor.u32 s3, s0;
	s1 =	sshll.u32 s1, $0x11  }
0xc1: {  	s0 =	sor.u32 s1, s0  }
0xc2: {  	s0 =	sadd.s32 $0x8F2B, s0  }
0xc3: {  	[sflag:s0] =	ssyncadd.remote.s32 $0x1  }
0xc4: {  	_ =	sfence.sel $0xFFFF  }
0xc5: {  	[dreg:$0x0] =	wrdreg $0xFFFFFFFF;
	(pc) =	sbr.abs _section_cstart, $3  }
0xc6: {  	[dreg:$0x1] =	wrdreg $0xFFFFFFFF  }
0xc7: {  	_ =	task.clear_ibuf [dreg:s7], $0x2FFFF;
	_ =	strace $0x9FFFFFFF  }
0xc8: {  	(tm) =	ssettm $0x7FFFFFFF  }
0xc9: {  	_ =	shalt  }
tec
execute0_lowered:
.L_overlay_start_1:
0x0: {  	(tag) =	ssettag $0x1  }
0x1: {  	s0 =	rddreg [dreg:$0x0]  }
0x2: {  	s1 =	rddreg [dreg:$0x1]  }
0x3: {  	s8 =	stileid.u32;
	s2 =	simm.s32 $0x0;
	s4 =	srdreg.scid  }
0x4: {  	s3 =	sshll.u32 s8, $0x4;
	[smem:$0x7FF] =	sst s2;
	s4 =	sand.u32 $0x1, s4  }
0x5: {  	s6 =	sshll.u32 s8, $0x7;
	s8 =	sshll.u32 s8, $0xD;
	s3 =	sand.u32 $0x70, s3  }
0x6: {  	_ =	strace $0x80000047;
	s5 =	sshll.u32 s4, $0xC;
	s4 =	ssub.s32 $0x2, s4  }
0x7: {  	s6 =	sand.u32 $0x400, s6;
	s3 =	sadd.s32 s3, s1;
	s1 =	sadd.s32 s5, s1  }
0x8: {  	s7 =	sshrl.u32 s4, $0x1;
	s0 =	sadd.s32 s0, s5;
	s3 =	sadd.s32 s6, s3  }
0x9: {  	s1 =	sadd.s32 s8, s1;
	[dreg:$0xb] =	wrdreg s0;
	s29 =	sadd.s32 $0x600, s3  }
0xa: {  	s4 =	ssub.s32 s4, s7;
	s30 =	sadd.s32 $0xE00, s1;
	[dreg:$0xc] =	wrdreg s29  }
0xb: {  	s31 =	smax.u32 s4, $0x1;
	[dreg:$0xd] =	wrdreg s30  }
0xc: {  	s1 =	simm.s32 $0x1;
	s3 =	simm.s32 $0x0;
	[dreg:$0xe] =	wrdreg s31  }
.LBB2_1:
0xd: {  	[dreg:$0xf] =	wrdreg s3  }
0xe: {  	s0 =	rddreg [dreg:$0xb]  }
0xf: {  	[tilespmem:s2], [sflag:$0x1] =	stream.linear.gather [hbm4b:s0+s2], $0x8000, $0x38;
	[tilespmem:$0x10400] =	vst v63  }
0x10: {  	_ =	swait.ge [sflag:s1], $0x8000  }
0x11: {  	s25 =	simm.s32 $0x8000;
	s14 =	simm.s32 $0x80;
	[sflag:s1] =	ssyncset.done $0x0  }
0x12: {  	s4 =	simm.s32 $0x400;
	s13 =	rddreg [dreg:$0xc];
	[sflag:s1] =	ssyncadd.s32 $0xFFFF8000  }
0x13: {  	[tilespmem:s25], [sflag:$0x1] =	stream.strided.gather [hbm4b:s13+s14], $0x400, s4, s14, $0x38;
	[tilespmem:$0x10400] =	vst v63  }
0x14: {  	s12 =	sand.u32 $0x60, s2;
	_ =	swait.ge [sflag:s1], $0x400  }
0x15: {  	s15 =	sand.u32 $0x380, s2;
	s14 =	sor.u32 $0x10, s12;
	[sflag:s1] =	ssyncset.done $0x0  }
0x16: {  	s0 =	sor.u32 s14, s15;
	[sflag:s1] =	ssyncadd.s32 $0xFFFFFC00  }
0x17: {  	v0 =	vld [tilespmem:s0+$0x8000];
	_ =	sdelay $0x4  }
0x18: {  	v1 =	vadd.s32 $0x400, v0  }
0x19: {  	v2 =	vadd.s32 $0x800, v0  }
0x1a: {  	v3 =	vadd.s32 $0xC00, v0  }
0x1b: {  	v13 =	vld [tilespmem:s25+$0x0];
	v4 =	vadd.s32 $0x1000, v0  }
0x1c: {  	v6 =	vadd.s32 $0x1400, v0;
	v5 =	vld.idx.msk [tilespmem:v0+s2+$0x0], $0xffff  }
0x1d: {  	v7 =	vld.idx.msk [tilespmem:v1+s2+$0x0], $0xffff;
	v1 =	vadd.s32 $0x1800, v0  }
0x1e: {  	v8 =	vld.idx.msk [tilespmem:v2+s2+$0x0], $0xffff;
	v2 =	vadd.s32 $0x1C00, v0  }
0x1f: {  	v9 =	vld.idx.msk [tilespmem:v3+s2+$0x0], $0xffff;
	v3 =	vadd.s32 $0x2000, v0  }
0x20: {  	v10 =	vld.idx.msk [tilespmem:v4+s2+$0x0], $0xffff;
	v4 =	vadd.s32 $0x2400, v0  }
0x21: {  	v11 =	vld.idx.msk [tilespmem:v6+s2+$0x0], $0xffff;
	v6 =	vadd.s32 $0x2800, v0  }
0x22: {  	v12 =	vld.idx.msk [tilespmem:v1+s2+$0x0], $0xffff;
	v1 =	vadd.s32 $0x2C00, v0  }
0x23: {  	v14 =	vld.idx.msk [tilespmem:v2+s2+$0x0], $0xffff;
	v2 =	vadd.s32 $0x3000, v0  }
0x24: {  	v15 =	vld.idx.msk [tilespmem:v3+s2+$0x0], $0xffff;
	v3 =	vadd.s32 $0x3400, v0  }
0x25: {  	v16 =	vld.idx.msk [tilespmem:v4+s2+$0x0], $0xffff;
	v4 =	vadd.s32 $0x3800, v0  }
0x26: {  	v17 =	vld.idx.msk [tilespmem:v6+s2+$0x0], $0xffff;
	v6 =	vadd.s32 $0x3C00, v0  }
0x27: {  	v18 =	vld.idx.msk [tilespmem:v1+s2+$0x0], $0xffff;
	v1 =	vadd.s32 $0x4000, v0  }
0x28: {  	v19 =	vld.idx.msk [tilespmem:v2+s2+$0x0], $0xffff;
	v2 =	vadd.s32 $0x4400, v0  }
0x29: {  	v20 =	vld.idx.msk [tilespmem:v3+s2+$0x0], $0xffff;
	v3 =	vadd.s32 $0x4800, v0  }
0x2a: {  	v33 =	vld.idx.msk [tilespmem:v4+s2+$0x0], $0xffff;
	v4 =	vadd.s32 $0x4C00, v0  }
0x2b: {  	v34 =	vld.idx.msk [tilespmem:v6+s2+$0x0], $0xffff;
	v6 =	vadd.s32 $0x5000, v0  }
0x2c: {  	v35 =	vld.idx.msk [tilespmem:v1+s2+$0x0], $0xffff;
	v1 =	vadd.s32 $0x5400, v0  }
0x2d: {  	v36 =	vld.idx.msk [tilespmem:v2+s2+$0x0], $0xffff;
	v2 =	vadd.s32 $0x5800, v0  }
0x2e: {  	v21 =	vld.idx.msk [tilespmem:v3+s2+$0x0], $0xffff;
	v3 =	vadd.s32 $0x5C00, v0  }
0x2f: {  	v22 =	vld.idx.msk [tilespmem:v4+s2+$0x0], $0xffff;
	v4 =	vadd.s32 $0x6000, v0  }
0x30: {  	v23 =	vld.idx.msk [tilespmem:v6+s2+$0x0], $0xffff;
	v6 =	vadd.s32 $0x6400, v0  }
0x31: {  	v24 =	vld.idx.msk [tilespmem:v1+s2+$0x0], $0xffff;
	v1 =	vadd.s32 $0x6800, v0  }
0x32: {  	v32 =	vld.idx.msk [tilespmem:v2+s2+$0x0], $0xffff;
	v2 =	vadd.s32 $0x6C00, v0  }
0x33: {  	v25 =	vld.idx.msk [tilespmem:v3+s2+$0x0], $0xffff;
	v3 =	vadd.s32 $0x7000, v0  }
0x34: {  	v26 =	vld.idx.msk [tilespmem:v4+s2+$0x0], $0xffff;
	v4 =	vadd.s32 $0x7400, v0  }
0x35: {  	v30 =	vld.idx.msk [tilespmem:v6+s2+$0x0], $0xffff;
	v6 =	vadd.s32 $0x7800, v0  }
0x36: {  	v0 =	vadd.s32 $0x7C00, v0;
	v31 =	vld.idx.msk [tilespmem:v1+s2+$0x0], $0xffff  }
0x37: {  	v29 =	vld.idx.msk [tilespmem:v2+s2+$0x0], $0xffff  }
0x38: {  	s5 =	sand.u32 $0x1C00, s2;
	v38 =	vadd.s32 $0x1400, v13;
	v27 =	vld.idx.msk [tilespmem:v3+s2+$0x0], $0xffff  }
0x39: {  	s16 =	sadd.s32 $0x8400, s5;
	v39 =	vadd.s32 $0x1800, v13;
	v28 =	vld.idx.msk [tilespmem:v4+s2+$0x0], $0xffff  }
0x3a: {  	s17 =	sor.u32 s14, s16;
	v40 =	vadd.s32 $0x1C00, v13;
	v2 =	vld.idx.msk [tilespmem:v6+s2+$0x0], $0xffff  }
0x3b: {  	v41 =	vadd.s32 $0x2000, v13;
	v1 =	vld.idx.msk [tilespmem:v0+s2+$0x0], $0xffff;
	[tilespmem:s17+$0x0] =	vst v5  }
0x3c: {  	s18 =	sand.u32 $0x3, s2;
	v44 =	vadd.s32 $0x2400, v13;
	v0 =	vld.idx.msk [tilespmem:v13+s2+$0x0], $0xffff;
	[tilespmem:s17+$0x80] =	vst v7  }
0x3d: {  	s3 =	sshll.u32 s18, $0x5;
	v3 =	vadd.s32 $0x400, v13;
	[tilespmem:s17+$0x100] =	vst v8;
	v7 =	vld.idx.msk [tilespmem:v38+s2+$0x0], $0xffff  }
0x3e: {  	s3 =	sadd.s32 $0x0, s3;
	v4 =	vadd.s32 $0x800, v13;
	[tilespmem:s17+$0x180] =	vst v9;
	v8 =	vld.idx.msk [tilespmem:v39+s2+$0x0], $0xffff  }
0x3f: {  	s20 =	sadd.s32 $0x10, s3;
	v6 =	vadd.s32 $0xC00, v13;
	[tilespmem:s17+$0x200] =	vst v10;
	v9 =	vld.idx.msk [tilespmem:v40+s2+$0x0], $0xffff  }
0x40: {  	s21 =	sor.u32 $0x300, s20;
	v37 =	vadd.s32 $0x1000, v13;
	[tilespmem:s17+$0x280] =	vst v11;
	v10 =	vld.idx.msk [tilespmem:v41+s2+$0x0], $0xffff  }
0x41: {  	s22 =	sadd.s32 $0xA400, s5;
	s23 =	sor.u32 $0x380, s20;
	v11 =	vld.idx.msk [tilespmem:v44+s2+$0x0], $0xffff;
	[tilespmem:s21+$0x8400] =	vst v12  }
0x42: {  	s24 =	sadd.s32 $0xA480, s5;
	s1 =	sor.u32 s14, s22;
	[tilespmem:s23+$0x8400] =	vst v14;
	v3 =	vld.idx.msk [tilespmem:v3+s2+$0x0], $0xffff  }
0x43: {  	s7 =	sadd.s32 $0xA580, s5;
	s6 =	sor.u32 s14, s24;
	[tilespmem:s1+$0x0] =	vst v15;
	v4 =	vld.idx.msk [tilespmem:v4+s2+$0x0], $0xffff  }
0x44: {  	s10 =	sor.u32 s12, s7;
	s4 =	sadd.s32 $0xA500, s5;
	v45 =	vadd.s32 $0x2800, v13;
	[tilespmem:s6+$0x0] =	vst v16;
	v5 =	vld.idx.msk [tilespmem:v6+s2+$0x0], $0xffff  }
0x45: {  	s9 =	sadd.s32 $0xA600, s5;
	s8 =	sor.u32 s14, s4;
	v46 =	vadd.s32 $0x2C00, v13;
	v6 =	vld.idx.msk [tilespmem:v37+s2+$0x0], $0xffff;
	[dreg:$0x3] =	wrdreg s10  }
0x46: {  	s13 =	sor.u32 s12, s9;
	v47 =	vadd.s32 $0x3000, v13;
	[tilespmem:s8+$0x0] =	vst v17  }
0x47: {  	s11 =	sor.u32 s14, s7;
	[dreg:$0x4] =	wrdreg s13  }
0x48: {  	s19 =	sor.u32 s2, s2;
	s15 =	sadd.s32 $0xA680, s5;
	v48 =	vadd.s32 $0x3400, v13;
	s17 =	sor.u32 s14, s9;
	[tilespmem:s11+$0x0] =	vst v18  }
0x49: {  	s26 =	sor.u32 $0x380, s19;
	s19 =	sor.u32 s14, s15;
	v12 =	vld.idx.msk [tilespmem:v45+s2+$0x0], $0xffff;
	[tilespmem:s17+$0x0] =	vst v19  }
0x4a: {  	s18 =	sadd.s32 $0xA700, s5;
	v49 =	vadd.s32 $0x3800, v13;
	s21 =	sor.u32 s12, s15;
	v14 =	vld.idx.msk [tilespmem:v46+s2+$0x0], $0xffff;
	[tilespmem:s19+$0x0] =	vst v20  }
0x4b: {  	s6 =	sor.u32 s14, s18;
	v15 =	vld.idx.msk [tilespmem:v47+s2+$0x0], $0xffff;
	[dreg:$0x5] =	wrdreg s21  }
0x4c: {  	s29 =	sor.u32 s12, s22;
	s20 =	sadd.s32 $0xA780, s5;
	v50 =	vadd.s32 $0x3C00, v13;
	s1 =	sor.u32 s12, s18;
	[tilespmem:s6+$0x0] =	vst v33  }
0x4d: {  	s30 =	sor.u32 s12, s24;
	s23 =	sor.u32 s14, s20;
	v16 =	vld.idx.msk [tilespmem:v48+s2+$0x0], $0xffff;
	[dreg:$0x6] =	wrdreg s1  }
0x4e: {  	s28 =	sor.u32 $0x300, s3;
	s22 =	sadd.s32 $0xC400, s5;
	v51 =	vadd.s32 $0x4000, v13;
	s8 =	sor.u32 s12, s20;
	[tilespmem:s23+$0x0] =	vst v34  }
0x4f: {  	s16 =	sor.u32 s12, s16;
	s7 =	sor.u32 s14, s22;
	v52 =	vadd.s32 $0x4400, v13;
	v17 =	vld.idx.msk [tilespmem:v49+s2+$0x0], $0xffff;
	[dreg:$0x7] =	wrdreg s8  }
0x50: {  	s31 =	sor.u32 s12, s4;
	s24 =	sadd.s32 $0xC480, s5;
	s0 =	sor.u32 s12, s22;
	v53 =	vadd.s32 $0x4800, v13;
	[tilespmem:s7+$0x0] =	vst v35  }
0x51: {  	s22 =	sadd.s32 $0xE480, s5;
	v54 =	vadd.s32 $0x4C00, v13;
	s10 =	sor.u32 s14, s24;
	v18 =	vld.idx.msk [tilespmem:v50+s2+$0x0], $0xffff;
	[dreg:$0x8] =	wrdreg s0  }
0x52: {  	v55 =	vadd.s32 $0x5000, v13;
	s9 =	sadd.s32 $0xC500, s5;
	s15 =	sadd.s32 $0xC600, s5;
	s13 =	sor.u32 s12, s24;
	[tilespmem:s10+$0x0] =	vst v36  }
0x53: {  	v56 =	vadd.s32 $0x5400, v13;
	s11 =	sadd.s32 $0xC580, s5;
	s7 =	sor.u32 s14, s9;
	v19 =	vld.idx.msk [tilespmem:v51+s2+$0x0], $0xffff;
	[dreg:$0x9] =	wrdreg s13  }
0x54: {  	v60 =	vadd.s32 $0x6400, v13;
	s18 =	sor.u32 s14, s15;
	s20 =	sadd.s32 $0xC780, s5;
	s8 =	sor.u32 s14, s11;
	v20 =	vld.idx.msk [tilespmem:v52+s2+$0x0], $0xffff;
	[tilespmem:s7+$0x0] =	vst v21  }
0x55: {  	v57 =	vadd.s32 $0x5800, v13;
	s4 =	sor.u32 s12, s20;
	s17 =	sadd.s32 $0xC680, s5;
	s19 =	sadd.s32 $0xC700, s5;
	v21 =	vld.idx.msk [tilespmem:v53+s2+$0x0], $0xffff;
	[tilespmem:s8+$0x0] =	vst v22  }
0x56: {  	v58 =	vadd.s32 $0x5C00, v13;
	s24 =	sadd.s32 $0xE500, s5;
	s21 =	sor.u32 s14, s19;
	s10 =	sor.u32 s14, s17;
	v22 =	vld.idx.msk [tilespmem:v54+s2+$0x0], $0xffff;
	[tilespmem:s18+$0x0] =	vst v23  }
0x57: {  	v59 =	vadd.s32 $0x6000, v13;
	s1 =	sor.u32 s12, s9;
	s23 =	sor.u32 s14, s22;
	s9 =	sor.u32 s12, s15;
	v23 =	vld.idx.msk [tilespmem:v55+s2+$0x0], $0xffff;
	[tilespmem:s10+$0x0] =	vst v24  }
0x58: {  	v61 =	vadd.s32 $0x6800, v13;
	s13 =	sor.u32 s14, s20;
	s8 =	sor.u32 s12, s11;
	s11 =	sadd.s32 $0xE400, s5;
	v24 =	vld.idx.msk [tilespmem:v56+s2+$0x0], $0xffff;
	[tilespmem:s21+$0x0] =	vst v32  }
0x59: {  	v62 =	vadd.s32 $0x6C00, v13;
	s7 =	sor.u32 s12, s22;
	s22 =	sadd.s32 $0xE600, s5;
	s15 =	sor.u32 s14, s11;
	v32 =	vld.idx.msk [tilespmem:v60+s2+$0x0], $0xffff;
	[tilespmem:s13+$0x0] =	vst v25  }
0x5a: {  	v63 =	vadd.s32 $0x7000, v13;
	s3 =	sor.u32 s12, s19;
	s0 =	sadd.s32 $0xE580, s5;
	s19 =	sor.u32 s14, s22;
	v25 =	vld.idx.msk [tilespmem:v57+s2+$0x0], $0xffff;
	[tilespmem:s15+$0x0] =	vst v26  }
0x5b: {  	s6 =	sor.u32 s12, s11;
	s10 =	sor.u32 s12, s17;
	s17 =	sor.u32 s14, s24;
	v26 =	vld.idx.msk [tilespmem:v58+s2+$0x0], $0xffff;
	[tilespmem:s23+$0x0] =	vst v30  }
0x5c: {  	s11 =	sor.u32 s12, s24;
	s18 =	sor.u32 s14, s0;
	s21 =	sadd.s32 $0xE680, s5;
	v30 =	vld.idx.msk [tilespmem:v59+s2+$0x0], $0xffff;
	[tilespmem:s17+$0x0] =	vst v31  }
0x5d: {  	s13 =	sadd.s32 $0xE780, s5;
	s20 =	sor.u32 s14, s21;
	s23 =	sadd.s32 $0xE700, s5;
	v31 =	vld.idx.msk [tilespmem:v61+s2+$0x0], $0xffff;
	[tilespmem:s18+$0x0] =	vst v29  }
0x5e: {  	s15 =	sor.u32 s12, s0;
	s17 =	simm.s32 $0x0;
	s24 =	sor.u32 s14, s23;
	[tilespmem:s19+$0x0] =	vst v27;
	v27 =	vld.idx.msk [tilespmem:v62+s2+$0x0], $0xffff  }
0x5f: {  	v33 =	vadd.s32 $0x7800, v13;
	v34 =	vadd.s32 $0x7400, v13;
	v13 =	vadd.s32 $0x7C00, v13;
	s18 =	simm.s32 $0x20;
	s19 =	simm.s32 $0x0;
	[tilespmem:s20+$0x0] =	vst v28;
	v28 =	vld.idx.msk [tilespmem:v63+s2+$0x0], $0xffff;
	s20 =	simm.s32 $0x0  }
.LBB2_2:
0x60: {  	s0 =	smov.u32 s30;
	s30 =	smov.u32 s28;
	s28 =	smov.u32 s25  }
0x61: {  	s25 =	sand.u32 $0x60, s18;
	s5 =	sor.u32 s12, s22;
	[tilespmem:s24+$0x0] =	vst v2;
	s24 =	sor.u32 s14, s13  }
0x62: {  	[dreg:$0xa] =	wrdreg s5;
	s14 =	sor.u32 $0x10, s25;
	s5 =	smov.u32 s4  }
0x63: {  	s4 =	smov.u32 s3;
	s3 =	smov.u32 s10;
	s10 =	smov.u32 s9  }
0x64: {  	v29 =	vld.idx.msk [tilespmem:v34+s2+$0x0], $0xffff;
	s9 =	smov.u32 s8;
	s8 =	smov.u32 s1;
	s1 =	smov.u32 s31  }
0x65: {  	v2 =	vld.idx.msk [tilespmem:v33+s2+$0x0], $0xffff;
	s31 =	smov.u32 s29;
	s29 =	smov.u32 s26;
	s26 =	sand.u32 $0x380, s18;
	[tilespmem:s24+$0x0] =	vst v1  }
0x66: {  	v1 =	vld.idx.msk [tilespmem:v13+s2+$0x0], $0xffff;
	s26 =	sor.u32 s14, s26;
	[tilespmem:s16+$0x80] =	vst v3  }
0x67: {  	v3 =	vld [tilespmem:s26+$0x8000];
	[tilespmem:s16+$0x100] =	vst v4  }
0x68: {  	[tilespmem:s16+$0x180] =	vst v5  }
0x69: {  	[tilespmem:s16+$0x200] =	vst v6  }
0x6a: {  	[tilespmem:s16+$0x280] =	vst v7  }
0x6b: {  	[tilespmem:s16+$0x0] =	vst v0  }
0x6c: {  	[tilespmem:s30+$0x8400] =	vst v8;
	v0 =	vadd.s32 $0x400, v3  }
0x6d: {  	s22 =	sor.u32 s12, s21;
	s23 =	sor.u32 s12, s23;
	[tilespmem:s29+$0x8400] =	vst v9;
	v4 =	vadd.s32 $0x800, v3  }
0x6e: {  	s21 =	sor.u32 s12, s13;
	s12 =	smov.u32 s25;
	s25 =	sadd.s32 $0x20, s28;
	[tilespmem:s31+$0x0] =	vst v10;
	v5 =	vadd.s32 $0xC00, v3  }
0x6f: {  	v13 =	vld [tilespmem:s25+$0x0];
	v6 =	vadd.s32 $0x1000, v3  }
0x70: {  	v7 =	vadd.s32 $0x1400, v3;
	v62 =	vld.idx.msk [tilespmem:v3+s2+$0x0], $0xffff  }
0x71: {  	[tilespmem:s0+$0x0] =	vst v11;
	v63 =	vld.idx.msk [tilespmem:v0+s2+$0x0], $0xffff;
	v0 =	vadd.s32 $0x1800, v3  }
0x72: {  	s26 =	rddreg [dreg:$0x3];
	[tilespmem:s1+$0x0] =	vst v12;
	v9 =	vadd.s32 $0x1C00, v3;
	v4 =	vld.idx.msk [tilespmem:v4+s2+$0x0], $0xffff  }
0x73: {  	s1 =	rddreg [dreg:$0x4];
	v10 =	vadd.s32 $0x2000, v3;
	[tilespmem:s26+$0x0] =	vst v14;
	v5 =	vld.idx.msk [tilespmem:v5+s2+$0x0], $0xffff  }
0x74: {  	s13 =	rddreg [dreg:$0x5];
	v11 =	vadd.s32 $0x2400, v3;
	[tilespmem:s1+$0x0] =	vst v15;
	v6 =	vld.idx.msk [tilespmem:v6+s2+$0x0], $0xffff  }
0x75: {  	s16 =	rddreg [dreg:$0x6];
	v12 =	vadd.s32 $0x2800, v3;
	[tilespmem:s13+$0x0] =	vst v16;
	v7 =	vld.idx.msk [tilespmem:v7+s2+$0x0], $0xffff  }
0x76: {  	s24 =	rddreg [dreg:$0x7];
	[tilespmem:s16+$0x0] =	vst v17;
	v8 =	vld.idx.msk [tilespmem:v0+s2+$0x0], $0xffff;
	v0 =	vadd.s32 $0x2C00, v3  }
0x77: {  	s26 =	rddreg [dreg:$0x8];
	v15 =	vadd.s32 $0x3000, v3;
	[tilespmem:s24+$0x0] =	vst v18;
	v9 =	vld.idx.msk [tilespmem:v9+s2+$0x0], $0xffff  }
0x78: {  	s1 =	rddreg [dreg:$0x9];
	v16 =	vadd.s32 $0x3400, v3;
	v10 =	vld.idx.msk [tilespmem:v10+s2+$0x0], $0xffff;
	[tilespmem:s26+$0x0] =	vst v19  }
0x79: {  	v17 =	vadd.s32 $0x3800, v3;
	v11 =	vld.idx.msk [tilespmem:v11+s2+$0x0], $0xffff;
	[tilespmem:s1+$0x0] =	vst v20  }
0x7a: {  	v12 =	vld.idx.msk [tilespmem:v12+s2+$0x0], $0xffff;
	v18 =	vadd.s32 $0x3C00, v3;
	[tilespmem:s8+$0x0] =	vst v21  }
0x7b: {  	[tilespmem:s9+$0x0] =	vst v22;
	v14 =	vld.idx.msk [tilespmem:v0+s2+$0x0], $0xffff;
	v0 =	vadd.s32 $0x4000, v3  }
0x7c: {  	v15 =	vld.idx.msk [tilespmem:v15+s2+$0x0], $0xffff;
	v20 =	vadd.s32 $0x4400, v3;
	[tilespmem:s10+$0x0] =	vst v23  }
0x7d: {  	v16 =	vld.idx.msk [tilespmem:v16+s2+$0x0], $0xffff;
	v21 =	vadd.s32 $0x4800, v3;
	[tilespmem:s3+$0x0] =	vst v24  }
0x7e: {  	v17 =	vld.idx.msk [tilespmem:v17+s2+$0x0], $0xffff;
	v22 =	vadd.s32 $0x4C00, v3;
	[tilespmem:s4+$0x0] =	vst v25  }
0x7f: {  	v18 =	vld.idx.msk [tilespmem:v18+s2+$0x0], $0xffff;
	v23 =	vadd.s32 $0x5000, v3;
	[tilespmem:s5+$0x0] =	vst v26  }
0x80: {  	[tilespmem:s6+$0x0] =	vst v30;
	v19 =	vld.idx.msk [tilespmem:v0+s2+$0x0], $0xffff;
	v0 =	vadd.s32 $0x5400, v3  }
0x81: {  	v20 =	vld.idx.msk [tilespmem:v20+s2+$0x0], $0xffff;
	v25 =	vadd.s32 $0x5800, v3;
	[tilespmem:s7+$0x0] =	vst v32  }
0x82: {  	v21 =	vld.idx.msk [tilespmem:v21+s2+$0x0], $0xffff;
	v26 =	vadd.s32 $0x5C00, v3;
	[tilespmem:s11+$0x0] =	vst v31  }
0x83: {  	s3 =	rddreg [dreg:$0xa];
	v22 =	vld.idx.msk [tilespmem:v22+s2+$0x0], $0xffff;
	[tilespmem:s15+$0x0] =	vst v27;
	v27 =	vadd.s32 $0x6000, v3  }
0x84: {  	v23 =	vld.idx.msk [tilespmem:v23+s2+$0x0], $0xffff;
	[tilespmem:s3+$0x0] =	vst v28;
	v28 =	vadd.s32 $0x6400, v3  }
0x85: {  	v24 =	vld.idx.msk [tilespmem:v0+s2+$0x0], $0xffff;
	v0 =	vadd.s32 $0x6800, v3  }
0x86: {  	v25 =	vld.idx.msk [tilespmem:v25+s2+$0x0], $0xffff;
	[tilespmem:s22+$0x0] =	vst v29;
	v29 =	vadd.s32 $0x7400, v3  }
0x87: {  	v26 =	vld.idx.msk [tilespmem:v26+s2+$0x0], $0xffff;
	[tilespmem:s23+$0x0] =	vst v2;
	v2 =	vadd.s32 $0x7000, v3  }
0x88: {  	v35 =	vadd.s32 $0x7800, v3;
	v30 =	vld.idx.msk [tilespmem:v27+s2+$0x0], $0xffff  }
0x89: {  	[tilespmem:s21+$0x0] =	vst v1;
	v1 =	vadd.s32 $0x6C00, v3;
	v32 =	vld.idx.msk [tilespmem:v28+s2+$0x0], $0xffff  }
0x8a: {  	v31 =	vld.idx.msk [tilespmem:v0+s2+$0x0], $0xffff;
	v0 =	vadd.s32 $0x7C00, v3  }
0x8b: {  	s19 =	sadd.s32 $0x100, s19;
	v29 =	vld.idx.msk [tilespmem:v29+s2+$0x0], $0xffff  }
0x8c: {  	s5 =	sand.u32 $0x1C00, s19;
	v28 =	vld.idx.msk [tilespmem:v2+s2+$0x0], $0xffff;
	v3 =	vadd.s32 $0x400, v13  }
0x8d: {  	s20 =	sadd.s32 $0x1, s20;
	v36 =	vadd.s32 $0x800, v13;
	s6 =	sadd.s32 $0x8400, s5;
	v2 =	vld.idx.msk [tilespmem:v35+s2+$0x0], $0xffff  }
0x8e: {  	v37 =	vadd.s32 $0xC00, v13;
	s8 =	sand.u32 $0x3, s20;
	s7 =	sor.u32 s14, s6;
	v27 =	vld.idx.msk [tilespmem:v1+s2+$0x0], $0xffff  }
0x8f: {  	v40 =	vadd.s32 $0x1000, v13;
	s1 =	sshll.u32 s8, $0x5;
	v1 =	vld.idx.msk [tilespmem:v0+s2+$0x0], $0xffff;
	[tilespmem:s7+$0x0] =	vst v62  }
0x90: {  	s17 =	sadd.s32 $0x2, s17;
	v41 =	vadd.s32 $0x1400, v13;
	s1 =	sadd.s32 s1, s19;
	v0 =	vld.idx.msk [tilespmem:v13+s2+$0x0], $0xffff;
	[tilespmem:s7+$0x80] =	vst v63  }
0x91: {  	p0 =	slt.u32 s17, $0x3E;
	v42 =	vadd.s32 $0x1800, v13;
	s28 =	sor.u32 $0x300, s1;
	s1 =	sadd.s32 $0x10, s1;
	v3 =	vld.idx.msk [tilespmem:v3+s2+$0x0], $0xffff;
	[tilespmem:s7+$0x100] =	vst v4  }
0x92: {  	v43 =	vadd.s32 $0x1C00, v13;
	s4 =	sor.u32 s19, s18;
	s9 =	sor.u32 $0x300, s1;
	s18 =	sadd.s32 $0x20, s18;
	v4 =	vld.idx.msk [tilespmem:v36+s2+$0x0], $0xffff;
	[tilespmem:s7+$0x180] =	vst v5  }
0x93: {  	v44 =	vadd.s32 $0x2000, v13;
	s26 =	sor.u32 $0x380, s4;
	s10 =	sadd.s32 $0xA400, s5;
	s13 =	sadd.s32 $0xA480, s5;
	v5 =	vld.idx.msk [tilespmem:v37+s2+$0x0], $0xffff;
	[tilespmem:s7+$0x200] =	vst v6  }
0x94: {  	v45 =	vadd.s32 $0x2400, v13;
	s0 =	sadd.s32 $0xC780, s5;
	s16 =	sor.u32 s12, s6;
	s6 =	sadd.s32 $0xA600, s5;
	v6 =	vld.idx.msk [tilespmem:v40+s2+$0x0], $0xffff;
	[tilespmem:s7+$0x280] =	vst v7  }
0x95: {  	v46 =	vadd.s32 $0x2800, v13;
	s29 =	sor.u32 s12, s10;
	s11 =	sor.u32 $0x380, s1;
	s8 =	sor.u32 s12, s6;
	v7 =	vld.idx.msk [tilespmem:v41+s2+$0x0], $0xffff;
	[tilespmem:s9+$0x8400] =	vst v8  }
0x96: {  	v47 =	vadd.s32 $0x2C00, v13;
	s30 =	sor.u32 s12, s13;
	s15 =	sor.u32 s14, s10;
	[dreg:$0x4] =	wrdreg s8;
	v8 =	vld.idx.msk [tilespmem:v42+s2+$0x0], $0xffff;
	[tilespmem:s11+$0x8400] =	vst v9  }
0x97: {  	v48 =	vadd.s32 $0x3000, v13;
	s22 =	sor.u32 s14, s13;
	s23 =	sadd.s32 $0xA580, s5;
	s21 =	sadd.s32 $0xA500, s5;
	v9 =	vld.idx.msk [tilespmem:v43+s2+$0x0], $0xffff;
	[tilespmem:s15+$0x0] =	vst v10  }
0x98: {  	v49 =	vadd.s32 $0x3400, v13;
	s10 =	sor.u32 s14, s6;
	s4 =	sor.u32 s12, s23;
	s24 =	sor.u32 s14, s21;
	v10 =	vld.idx.msk [tilespmem:v44+s2+$0x0], $0xffff;
	[tilespmem:s22+$0x0] =	vst v11  }
0x99: {  	v50 =	vadd.s32 $0x3800, v13;
	s31 =	sor.u32 s12, s21;
	s7 =	sor.u32 s14, s23;
	s9 =	sadd.s32 $0xA680, s5;
	v11 =	vld.idx.msk [tilespmem:v45+s2+$0x0], $0xffff;
	[tilespmem:s24+$0x0] =	vst v12  }
0x9a: {  	v51 =	vadd.s32 $0x3C00, v13;
	[dreg:$0x3] =	wrdreg s4;
	s11 =	sadd.s32 $0xA700, s5;
	s13 =	sor.u32 s14, s9;
	v12 =	vld.idx.msk [tilespmem:v46+s2+$0x0], $0xffff;
	[tilespmem:s7+$0x0] =	vst v14  }
0x9b: {  	v52 =	vadd.s32 $0x4000, v13;
	s1 =	sor.u32 s12, s9;
	s9 =	sadd.s32 $0xC580, s5;
	s15 =	sadd.s32 $0xA780, s5;
	v14 =	vld.idx.msk [tilespmem:v47+s2+$0x0], $0xffff;
	[tilespmem:s10+$0x0] =	vst v15  }
0x9c: {  	v53 =	vadd.s32 $0x4400, v13;
	s21 =	sor.u32 s14, s11;
	[dreg:$0x5] =	wrdreg s1;
	s3 =	sor.u32 s12, s11;
	v15 =	vld.idx.msk [tilespmem:v48+s2+$0x0], $0xffff;
	[tilespmem:s13+$0x0] =	vst v16  }
0x9d: {  	v54 =	vadd.s32 $0x4800, v13;
	s22 =	sadd.s32 $0xC400, s5;
	s23 =	sor.u32 s14, s15;
	[dreg:$0x6] =	wrdreg s3;
	v16 =	vld.idx.msk [tilespmem:v49+s2+$0x0], $0xffff;
	[tilespmem:s21+$0x0] =	vst v17  }
0x9e: {  	v55 =	vadd.s32 $0x4C00, v13;
	s4 =	sor.u32 s12, s15;
	s24 =	sadd.s32 $0xC480, s5;
	s6 =	sor.u32 s14, s22;
	v17 =	vld.idx.msk [tilespmem:v50+s2+$0x0], $0xffff;
	[tilespmem:s23+$0x0] =	vst v18  }
0x9f: {  	v56 =	vadd.s32 $0x5000, v13;
	s15 =	sor.u32 s14, s9;
	s7 =	sadd.s32 $0xC500, s5;
	s8 =	sor.u32 s14, s24;
	v18 =	vld.idx.msk [tilespmem:v51+s2+$0x0], $0xffff;
	[tilespmem:s6+$0x0] =	vst v19  }
0xa0: {  	v57 =	vadd.s32 $0x5400, v13;
	[dreg:$0x7] =	wrdreg s4;
	s1 =	sor.u32 s12, s22;
	s10 =	sor.u32 s14, s7;
	v19 =	vld.idx.msk [tilespmem:v52+s2+$0x0], $0xffff;
	[tilespmem:s8+$0x0] =	vst v20  }
0xa1: {  	v58 =	vadd.s32 $0x5800, v13;
	s4 =	sor.u32 s12, s0;
	[dreg:$0x8] =	wrdreg s1;
	s13 =	sadd.s32 $0xC600, s5;
	v20 =	vld.idx.msk [tilespmem:v53+s2+$0x0], $0xffff;
	[tilespmem:s10+$0x0] =	vst v21  }
0xa2: {  	v59 =	vadd.s32 $0x5C00, v13;
	s11 =	sor.u32 s12, s24;
	s21 =	sadd.s32 $0xC680, s5;
	s22 =	sor.u32 s14, s13;
	v21 =	vld.idx.msk [tilespmem:v54+s2+$0x0], $0xffff;
	[tilespmem:s15+$0x0] =	vst v22  }
0xa3: {  	v60 =	vadd.s32 $0x6000, v13;
	s1 =	sor.u32 s12, s7;
	s23 =	sadd.s32 $0xC700, s5;
	s24 =	sor.u32 s14, s21;
	v22 =	vld.idx.msk [tilespmem:v55+s2+$0x0], $0xffff;
	[tilespmem:s22+$0x0] =	vst v23  }
0xa4: {  	v61 =	vadd.s32 $0x6400, v13;
	s7 =	sor.u32 s14, s23;
	s8 =	sor.u32 s12, s9;
	s9 =	sor.u32 s12, s13;
	v23 =	vld.idx.msk [tilespmem:v56+s2+$0x0], $0xffff;
	[tilespmem:s24+$0x0] =	vst v24  }
0xa5: {  	v38 =	vadd.s32 $0x6800, v13;
	s13 =	sadd.s32 $0xE400, s5;
	s10 =	sor.u32 s12, s21;
	s21 =	sor.u32 s14, s0;
	v24 =	vld.idx.msk [tilespmem:v57+s2+$0x0], $0xffff;
	[tilespmem:s7+$0x0] =	vst v25  }
0xa6: {  	v62 =	vadd.s32 $0x6C00, v13;
	[dreg:$0x9] =	wrdreg s11;
	s15 =	sor.u32 s14, s13;
	s22 =	sadd.s32 $0xE480, s5;
	v25 =	vld.idx.msk [tilespmem:v58+s2+$0x0], $0xffff;
	[tilespmem:s21+$0x0] =	vst v26  }
0xa7: {  	v63 =	vadd.s32 $0x7000, v13;
	s3 =	sor.u32 s12, s23;
	s24 =	sor.u32 s14, s22;
	v26 =	vld.idx.msk [tilespmem:v59+s2+$0x0], $0xffff;
	s21 =	sadd.s32 $0xE500, s5;
	[tilespmem:s15+$0x0] =	vst v30  }
.Ltmp0:
0xa8: {  	s23 =	sadd.s32 $0xE580, s5;
	v30 =	vld.idx.msk [tilespmem:v60+s2+$0x0], $0xffff;
	s0 =	sor.u32 s14, s21;
	[tilespmem:s24+$0x0] =	vst v32;
	(pc) =	sbr.rel @p0 .LBB2_2-.Ltmp0, $4  }
0xa9: {  	s7 =	sor.u32 s12, s22;
	s22 =	sadd.s32 $0xE600, s5;
	s15 =	sor.u32 s14, s23;
	v32 =	vld.idx.msk [tilespmem:v61+s2+$0x0], $0xffff;
	[tilespmem:s0+$0x0] =	vst v31  }
0xaa: {  	s11 =	sor.u32 s12, s21;
	s21 =	sadd.s32 $0xE680, s5;
	s24 =	sor.u32 s14, s22;
	v31 =	vld.idx.msk [tilespmem:v38+s2+$0x0], $0xffff;
	[tilespmem:s15+$0x0] =	vst v27  }
0xab: {  	s0 =	sor.u32 s14, s21;
	v27 =	vld.idx.msk [tilespmem:v62+s2+$0x0], $0xffff;
	s15 =	sor.u32 s12, s23;
	s23 =	sadd.s32 $0xE700, s5;
	[tilespmem:s24+$0x0] =	vst v28  }
0xac: {  	v34 =	vadd.s32 $0x7400, v13;
	v33 =	vadd.s32 $0x7800, v13;
	v13 =	vadd.s32 $0x7C00, v13;
	s6 =	sor.u32 s12, s13;
	s13 =	sadd.s32 $0xE780, s5;
	v28 =	vld.idx.msk [tilespmem:v63+s2+$0x0], $0xffff;
	s24 =	sor.u32 s14, s23;
	[tilespmem:s0+$0x0] =	vst v29  }
0xad: {  	_ =	sdelay $0x3  }
0xae: {  	v29 =	vld.idx.msk [tilespmem:v34+s2+$0x0], $0xffff  }
0xaf: {  	[tilespmem:s24+$0x0] =	vst v2;
	v62 =	vld.idx.msk [tilespmem:v33+s2+$0x0], $0xffff  }
0xb0: {  	v63 =	vld.idx.msk [tilespmem:v13+s2+$0x0], $0xffff;
	[tilespmem:s16+$0x80] =	vst v3  }
0xb1: {  	[tilespmem:s16+$0x100] =	vst v4  }
0xb2: {  	[tilespmem:s16+$0x180] =	vst v5  }
0xb3: {  	[tilespmem:s16+$0x200] =	vst v6  }
0xb4: {  	[tilespmem:s16+$0x280] =	vst v7  }
0xb5: {  	s5 =	sor.u32 s14, s13;
	[tilespmem:s16+$0x0] =	vst v0  }
0xb6: {  	[tilespmem:s5+$0x0] =	vst v1  }
0xb7: {  	[tilespmem:s28+$0x8400] =	vst v8  }
0xb8: {  	[tilespmem:s26+$0x8400] =	vst v9  }
0xb9: {  	[tilespmem:s29+$0x0] =	vst v10  }
0xba: {  	[tilespmem:s30+$0x0] =	vst v11  }
0xbb: {  	[tilespmem:s31+$0x0] =	vst v12  }
0xbc: {  	s0 =	rddreg [dreg:$0x3]  }
0xbd: {  	[tilespmem:s0+$0x0] =	vst v14  }
0xbe: {  	s0 =	rddreg [dreg:$0x4]  }
0xbf: {  	[tilespmem:s0+$0x0] =	vst v15  }
0xc0: {  	s0 =	rddreg [dreg:$0x5]  }
0xc1: {  	[tilespmem:s0+$0x0] =	vst v16  }
0xc2: {  	s0 =	rddreg [dreg:$0x6]  }
0xc3: {  	[tilespmem:s0+$0x0] =	vst v17  }
0xc4: {  	s0 =	rddreg [dreg:$0x7]  }
0xc5: {  	[tilespmem:s0+$0x0] =	vst v18  }
0xc6: {  	s0 =	rddreg [dreg:$0x8]  }
0xc7: {  	[tilespmem:s0+$0x0] =	vst v19  }
0xc8: {  	s0 =	rddreg [dreg:$0x9]  }
0xc9: {  	[tilespmem:s0+$0x0] =	vst v20  }
0xca: {  	[tilespmem:s1+$0x0] =	vst v21  }
0xcb: {  	[tilespmem:s8+$0x0] =	vst v22  }
0xcc: {  	[tilespmem:s9+$0x0] =	vst v23  }
0xcd: {  	[tilespmem:s10+$0x0] =	vst v24  }
0xce: {  	[tilespmem:s3+$0x0] =	vst v25  }
0xcf: {  	[tilespmem:s4+$0x0] =	vst v26  }
0xd0: {  	[tilespmem:s6+$0x0] =	vst v30  }
0xd1: {  	[tilespmem:s7+$0x0] =	vst v32  }
0xd2: {  	[tilespmem:s11+$0x0] =	vst v31  }
0xd3: {  	s24 =	sor.u32 s12, s22;
	[tilespmem:s15+$0x0] =	vst v27  }
0xd4: {  	s25 =	sor.u32 s12, s21;
	[tilespmem:s24+$0x0] =	vst v28  }
0xd5: {  	s26 =	sor.u32 s12, s23;
	[tilespmem:s25+$0x0] =	vst v29  }
0xd6: {  	s28 =	sor.u32 s12, s13;
	[tilespmem:s26+$0x0] =	vst v62  }
0xd7: {  	[tilespmem:s28+$0x0] =	vst v63  }
0xd8: {  	s29 =	simm.s32 $0x8400;
	s1 =	simm.s32 $0x1;
	s0 =	rddreg [dreg:$0xd]  }
0xd9: {  	[hbm4b:s0+s2] =	stream.linear.scatter [tilespmem:s29], [sflag:$0x1], $0x8000, $0x38;
	[tilespmem:$0x10400] =	vst v63  }
0xda: {  	_ =	swait.ge [sflag:s1], $0x8000  }
0xdb: {  	s30 =	rddreg [dreg:$0xf]  }
0xdc: {  	s31 =	rddreg [dreg:$0xe];
	s3 =	sadd.s32 $0x1, s30  }
0xdd: {  	p0 =	sne.s32 s3, s31  }
.Ltmp1:
0xde: {  	_ = 	snop;
	(pc) =	sbr.rel @p0 .LBB2_1-.Ltmp1, $3  }
0xdf: {  	_ =	sdelay $0x1  }
0xe0: {  	[sflag:s1] =	ssyncset.done $0x0  }
0xe1: {  	[sflag:s1] =	ssyncadd.s32 $0xFFFF8000  }
0xe2: {  	_ =	sfence.sel $0x180000  }
0xe3: {  	[bflag:$0x0] =	sbarrier.arrive $0xFFFF  }
0xe4: {  	_ =	strace $0x90000047  }
0xe5: {  	s0 =	stileid.u32;
	[bflag:$0x2] =	sbarrier.arrive $0xFFFF  }
0xe6: {  	p0 =	sne.s32 s0, $0x0;
	s0 =	rddreg [dreg:$0x2]  }
0xe7: {  	s0 =	sadd.s32 @!p0 $0x100000, s0  }
0xe8: {  	[sflag:s0] =	ssyncadd.tile.s32 @!p0 $0x1;
	_ =	shalt  }
.Lfunc_end2:
_tile_overlayer_lowered:
.L_overlay_start_2:
0xe9: {  	(tag) =	ssettag $0x2  }
0xea: {  	s0 =	rddreg [dreg:$0x0];
	s2 =	stileid.u32  }
0xeb: {  	s1 =	rddreg [dreg:$0x1];
	p0 =	sne.s32 s2, $0x0  }
0xec: {  	s3 =	rddreg [dreg:$0x2];
	[bflag:$0x3] =	sbarrier.arrive $0xFFFF;
	s2 =	simm.s32 @!p0 $0x1C01  }
0xed: {  	[timem:s3], [sflag:s2] =	dma.local @!p0 [hbm:s0], s1  }
0xee: {  	s0 =	simm.s32 @!p0 $0x1  }
0xef: {  	_ =	swait.ge @!p0 [sflag:s0], s1  }
0xf0: {  	s1 =	ssub.s32 @!p0 $0x0, s1;
	[sflag:s0] =	ssyncset.done @!p0 $0x0  }
0xf1: {  	[sflag:s0] =	ssyncadd.s32 @!p0 s1  }
0xf2: {  	[bflag:$0x3] =	sbarrier.arrive $0xFFFF  }
0xf3: {  	_ =	shalt  }

</sc_bundles>
